<compile_context>
chip_gen: v7x
topology: tpu7x:2x2x1
jax: 0.10.2.dev20260603
libtpu: 0.0.44.dev20260713+nightly
codegen_flags: <defaults>
</compile_context>

<pallas_src>
import jax
import jax.numpy as jnp
from jax import lax
from jax.experimental import pallas as pl
from jax.experimental.pallas import tpu as pltpu
from jax.experimental.pallas import tpu_sc as plsc

N_NODES = 10000
D_FEAT = 256
HALF = D_FEAT // 2
N_EDGES = 160000
NC = 2
NS = 16
CHUNK = 128
CPT = -(-N_EDGES // (NS * CHUNK))
EPT = CPT * CHUNK
E_PAD = NS * EPT
ACC_ROWS = 10240
ZROWS = 640
OROWS = 640
DUMMY = N_NODES
ZB = 64


def _body(x_hbm, src_hbm, tgt_hbm, o_hbm,
          acc, zbuf, src_v, tgt_v, rows_v, sem):
    c = lax.axis_index("c")
    s = lax.axis_index("s")

    pltpu.sync_copy(src_hbm.at[c, s], src_v)
    pltpu.sync_copy(tgt_hbm.at[c, s], tgt_v)

    zero = jnp.zeros((16,), jnp.float32)

    def zrow(i, carry):
        for j in range(HALF // 16):
            zbuf[i, pl.ds(j * 16, 16)] = zero
        return carry

    lax.fori_loop(0, ZB, zrow, 0)

    for h in (0, 1):
        base = s * ZROWS
        for k in range(ZROWS // ZB):
            pltpu.sync_copy(zbuf, acc.at[pl.ds(base + k * ZB, ZB)])
        rem = ZROWS % ZB
        if rem:
            pltpu.sync_copy(zbuf.at[pl.ds(0, rem)],
                            acc.at[pl.ds(base + (ZROWS // ZB) * ZB, rem)])
        plsc.subcore_barrier()

        def chunk(j, carry):
            pltpu.async_copy(x_hbm.at[src_v.at[j], pl.ds(h * HALF, HALF)],
                             rows_v, sem).wait()
            pltpu.sync_copy(rows_v, acc.at[tgt_v.at[j]], add=True)
            return carry

        lax.fori_loop(0, CPT, chunk, 0)
        plsc.subcore_barrier()

        pltpu.sync_copy(acc.at[pl.ds(s * OROWS, 400)],
                        o_hbm.at[c, pl.ds(s * OROWS, 400),
                                 pl.ds(h * HALF, HALF)])

        @pl.when(s < NS - 1)
        def _():
            pltpu.sync_copy(acc.at[pl.ds(s * OROWS + 400, OROWS - 400)],
                            o_hbm.at[c, pl.ds(s * OROWS + 400, OROWS - 400),
                                     pl.ds(h * HALF, HALF)])
        plsc.subcore_barrier()


@jax.jit
def kernel(x, up_index, down_index):
    x = x.astype(jnp.float32)

    pad = E_PAD - N_EDGES
    src = jnp.stack([up_index[0], down_index[0]]).astype(jnp.int32)
    tgt = jnp.stack([up_index[1], down_index[1]]).astype(jnp.int32)
    src = jnp.pad(src, ((0, 0), (0, pad))).reshape(2, NS, CPT, CHUNK)
    tgt = jnp.pad(tgt, ((0, 0), (0, pad)),
                  constant_values=DUMMY).reshape(2, NS, CPT, CHUNK)

    mesh = plsc.VectorSubcoreMesh(core_axis_name="c", subcore_axis_name="s")
    out_t = jax.ShapeDtypeStruct((2, N_NODES, D_FEAT), jnp.float32)
    kfn = pl.kernel(
        _body,
        out_type=out_t,
        mesh=mesh,
        scratch_types=[
            pltpu.VMEM_SHARED((ACC_ROWS, HALF), jnp.float32),
            pltpu.VMEM((ZB, HALF), jnp.float32),
            pltpu.VMEM((CPT, CHUNK), jnp.int32),
            pltpu.VMEM((CPT, CHUNK), jnp.int32),
            pltpu.VMEM((CHUNK, HALF), jnp.float32),
            pltpu.SemaphoreType.DMA,
        ],
    )
    return kfn(x, src, tgt)

# --- scband reference (transcript-rebuilt; emitter-appended) ---
"""Pipeline reference for scband-chain-message-passing-20942260535324 (READ-ONLY COPY).

The authoritative reference and input builder live on the scoring server;
editing this copy changes nothing except your own understanding.
"""

import jax, jax.numpy as jnp
import numpy as np

N_NODES = 10000
D_FEAT = 256
N_EDGES = 160000


def setup_inputs(seed: int = 0) -> dict:
    key = jax.random.key(seed)
    k1, k2, k3 = jax.random.split(key, 3)
    x = jax.random.normal(k1, (N_NODES, D_FEAT), dtype=jnp.float32)
    up_index = jax.random.randint(k2, (2, N_EDGES), 0, N_NODES)
    down_index = jax.random.randint(k3, (2, N_EDGES), 0, N_NODES)
    return {"x": x, "up_index": up_index, "down_index": down_index}


def reference(x, up_index, down_index):
    # ChainMessagePassing.propagate with flow='source_to_target':
    #   j (source) = index[0], i (target) = index[1]
    # message_up(up_x_j) = up_x_j ; message_down(down_x_j) = down_x_j (base-class identity messages)
    # aggregate_up / aggregate_down with aggr='add' -> scatter-add over target index
    # update(up_out, down_out) -> combined output (stacked here as [2, N, D])
    N = x.shape[0]
    up_x_j = jnp.take(x, up_index[0], axis=0)          # __lift__ / index_select along node_dim
    up_out = jax.ops.segment_sum(up_x_j, up_index[1], num_segments=N)
    down_x_j = jnp.take(x, down_index[0], axis=0)
    down_out = jax.ops.segment_sum(down_x_j, down_index[1], num_segments=N)
    return jnp.stack([up_out, down_out], axis=0)

if __name__ == "__main__":
    import jax
    _d = setup_inputs()
    print(jax.jit(kernel)(*tuple(_d.values())))

</pallas_src>

<mosaic_0001>
#map = affine_map<(d0, d1) -> (0, 0)>
#map1 = affine_map<(d0, d1) -> (0, 0, 0, 0)>
#map2 = affine_map<(d0, d1) -> (0, 0, 0)>
module attributes {stable_mosaic.version = 14 : i64} {
  func.func @_body(%arg0: i32, %arg1: i32, %arg2: memref<10000x256xf32, #tpu.memory_space<hbm>>, %arg3: memref<2x16x79x128xi32, #tpu.memory_space<hbm>>, %arg4: memref<2x16x79x128xi32, #tpu.memory_space<hbm>>, %arg5: memref<2x10000x256xf32, #tpu.memory_space<hbm>>, %arg6: memref<10240x128xf32, #tpu.memory_space<vmem_shared>>, %arg7: memref<64x128xf32, #tpu.memory_space<vmem>>, %arg8: memref<79x128xi32, #tpu.memory_space<vmem>>, %arg9: memref<79x128xi32, #tpu.memory_space<vmem>>, %arg10: memref<128x128xf32, #tpu.memory_space<vmem>>, %arg11: memref<!tpu.dma_semaphore, #tpu.memory_space<semaphore_mem>>) attributes {dimension_semantics = [#tpu.dimension_semantics<core_parallel>, #tpu.dimension_semantics<subcore_parallel>], iteration_bounds = array<i64: 2, 16>, scalar_prefetch = 0 : i64, scratch_operands = 6 : i64, tpu.core_type = #tpu.core_type<sc_vector_subcore>, window_params = [{transform_indices = #map}, {transform_indices = #map1}, {transform_indices = #map1}, {transform_indices = #map2}]} {
    "tpu.region"() ({
      %run_scoped3A = tpu.sem_alloc : memref<!tpu.dma_semaphore, #tpu.memory_space<semaphore_mem>>
      %dma_start3A = arith.constant 0 : i32
      %dma_start3A_80 = arith.constant 0 : i32
      %dma_start3A_81 = tpu.memref_slice %arg3[%arg0, %arg1, %dma_start3A, %dma_start3A_80] : memref<2x16x79x128xi32, #tpu.memory_space<hbm>> -> memref<1x1x79x128xi32, #tpu.memory_space<hbm>>
      %dma_start3A_82 = tpu.memref_squeeze %dma_start3A_81 : memref<1x1x79x128xi32, #tpu.memory_space<hbm>> -> memref<79x128xi32, #tpu.memory_space<hbm>>
      %dma_start3A_83 = arith.constant 0 : i32
      %dma_start3A_84 = arith.constant 0 : i32
      %dma_start3A_85 = tpu.memref_slice %arg3[%arg0, %arg1, %dma_start3A_83, %dma_start3A_84] : memref<2x16x79x128xi32, #tpu.memory_space<hbm>> -> memref<1x1x79x128xi32, #tpu.memory_space<hbm>>
      %dma_start3A_86 = tpu.memref_squeeze %dma_start3A_85 : memref<1x1x79x128xi32, #tpu.memory_space<hbm>> -> memref<79x128xi32, #tpu.memory_space<hbm>>
      tpu.enqueue_dma source(%dma_start3A_86 : memref<79x128xi32, #tpu.memory_space<hbm>>) target(%arg8 : memref<79x128xi32, #tpu.memory_space<vmem>>) target_semaphore(%run_scoped3A : memref<!tpu.dma_semaphore, #tpu.memory_space<semaphore_mem>>)
      %dma_wait3A = arith.constant 0 : i32
      %dma_wait3A_87 = arith.constant 0 : i32
      %dma_wait3A_88 = tpu.memref_slice %arg3[%arg0, %arg1, %dma_wait3A, %dma_wait3A_87] : memref<2x16x79x128xi32, #tpu.memory_space<hbm>> -> memref<1x1x79x128xi32, #tpu.memory_space<hbm>>
      %dma_wait3A_89 = tpu.memref_squeeze %dma_wait3A_88 : memref<1x1x79x128xi32, #tpu.memory_space<hbm>> -> memref<79x128xi32, #tpu.memory_space<hbm>>
      %dma_wait3A_90 = arith.constant 0 : i32
      %dma_wait3A_91 = arith.constant 0 : i32
      %dma_wait3A_92 = tpu.memref_slice %arg3[%arg0, %arg1, %dma_wait3A_90, %dma_wait3A_91] : memref<2x16x79x128xi32, #tpu.memory_space<hbm>> -> memref<1x1x79x128xi32, #tpu.memory_space<hbm>>
      %dma_wait3A_93 = tpu.memref_squeeze %dma_wait3A_92 : memref<1x1x79x128xi32, #tpu.memory_space<hbm>> -> memref<79x128xi32, #tpu.memory_space<hbm>>
      tpu.wait_dma2 semaphore(%run_scoped3A : memref<!tpu.dma_semaphore, #tpu.memory_space<semaphore_mem>>) src(%dma_wait3A_93 : memref<79x128xi32, #tpu.memory_space<hbm>>) dst(%arg8 : memref<79x128xi32, #tpu.memory_space<vmem>>)
      tpu.yield
    }) : () -> ()
    "tpu.region"() ({
      %run_scoped3A = tpu.sem_alloc : memref<!tpu.dma_semaphore, #tpu.memory_space<semaphore_mem>>
      %dma_start3A = arith.constant 0 : i32
      %dma_start3A_80 = arith.constant 0 : i32
      %dma_start3A_81 = tpu.memref_slice %arg4[%arg0, %arg1, %dma_start3A, %dma_start3A_80] : memref<2x16x79x128xi32, #tpu.memory_space<hbm>> -> memref<1x1x79x128xi32, #tpu.memory_space<hbm>>
      %dma_start3A_82 = tpu.memref_squeeze %dma_start3A_81 : memref<1x1x79x128xi32, #tpu.memory_space<hbm>> -> memref<79x128xi32, #tpu.memory_space<hbm>>
      %dma_start3A_83 = arith.constant 0 : i32
      %dma_start3A_84 = arith.constant 0 : i32
      %dma_start3A_85 = tpu.memref_slice %arg4[%arg0, %arg1, %dma_start3A_83, %dma_start3A_84] : memref<2x16x79x128xi32, #tpu.memory_space<hbm>> -> memref<1x1x79x128xi32, #tpu.memory_space<hbm>>
      %dma_start3A_86 = tpu.memref_squeeze %dma_start3A_85 : memref<1x1x79x128xi32, #tpu.memory_space<hbm>> -> memref<79x128xi32, #tpu.memory_space<hbm>>
      tpu.enqueue_dma source(%dma_start3A_86 : memref<79x128xi32, #tpu.memory_space<hbm>>) target(%arg9 : memref<79x128xi32, #tpu.memory_space<vmem>>) target_semaphore(%run_scoped3A : memref<!tpu.dma_semaphore, #tpu.memory_space<semaphore_mem>>)
      %dma_wait3A = arith.constant 0 : i32
      %dma_wait3A_87 = arith.constant 0 : i32
      %dma_wait3A_88 = tpu.memref_slice %arg4[%arg0, %arg1, %dma_wait3A, %dma_wait3A_87] : memref<2x16x79x128xi32, #tpu.memory_space<hbm>> -> memref<1x1x79x128xi32, #tpu.memory_space<hbm>>
      %dma_wait3A_89 = tpu.memref_squeeze %dma_wait3A_88 : memref<1x1x79x128xi32, #tpu.memory_space<hbm>> -> memref<79x128xi32, #tpu.memory_space<hbm>>
      %dma_wait3A_90 = arith.constant 0 : i32
      %dma_wait3A_91 = arith.constant 0 : i32
      %dma_wait3A_92 = tpu.memref_slice %arg4[%arg0, %arg1, %dma_wait3A_90, %dma_wait3A_91] : memref<2x16x79x128xi32, #tpu.memory_space<hbm>> -> memref<1x1x79x128xi32, #tpu.memory_space<hbm>>
      %dma_wait3A_93 = tpu.memref_squeeze %dma_wait3A_92 : memref<1x1x79x128xi32, #tpu.memory_space<hbm>> -> memref<79x128xi32, #tpu.memory_space<hbm>>
      tpu.wait_dma2 semaphore(%run_scoped3A : memref<!tpu.dma_semaphore, #tpu.memory_space<semaphore_mem>>) src(%dma_wait3A_93 : memref<79x128xi32, #tpu.memory_space<hbm>>) dst(%arg9 : memref<79x128xi32, #tpu.memory_space<vmem>>)
      tpu.yield
    }) : () -> ()
    %broadcast_in_dim3A = arith.constant 0.000000e+00 : f32
    %broadcast_in_dim3A_0 = vector.broadcast %broadcast_in_dim3A : f32 to vector<16xf32>
    %scan3A = arith.constant 0 : i32
    %scan3A_1 = arith.constant 0 : i32
    %scan3A_2 = arith.constant 64 : i32
    %scan3A_3 = arith.addi %scan3A_1, %scan3A_2 : i32
    %scan3A_4 = arith.constant 1 : i32
    scf.for %scan3A_80 = %scan3A_1 to %scan3A_3 step %scan3A_4  : i32 {
      %swap3A = arith.index_cast %scan3A_80 : i32 to index
      %swap3A_81 = arith.constant 0 : index
      %swap3A_82 = tpu.vector_load %arg7[%swap3A, %swap3A_81] {strides = array<i32>} : memref<64x128xf32, #tpu.memory_space<vmem>>, vector<1x16xf32>,
      %swap3A_83 = vector.shape_cast %swap3A_82 : vector<1x16xf32> to vector<16xf32>
      %swap3A_84 = vector.shape_cast %broadcast_in_dim3A_0 : vector<16xf32> to vector<1x16xf32>
      tpu.vector_store %arg7[%swap3A, %swap3A_81], %swap3A_84 {strides = array<i32>} : memref<64x128xf32, #tpu.memory_space<vmem>>, vector<1x16xf32>,
      %swap3A_85 = arith.index_cast %scan3A_80 : i32 to index
      %swap3A_86 = arith.constant 16 : index
      %swap3A_87 = tpu.vector_load %arg7[%swap3A_85, %swap3A_86] {strides = array<i32>} : memref<64x128xf32, #tpu.memory_space<vmem>>, vector<1x16xf32>,
      %swap3A_88 = vector.shape_cast %swap3A_87 : vector<1x16xf32> to vector<16xf32>
      %swap3A_89 = vector.shape_cast %broadcast_in_dim3A_0 : vector<16xf32> to vector<1x16xf32>
      tpu.vector_store %arg7[%swap3A_85, %swap3A_86], %swap3A_89 {strides = array<i32>} : memref<64x128xf32, #tpu.memory_space<vmem>>, vector<1x16xf32>,
      %swap3A_90 = arith.index_cast %scan3A_80 : i32 to index
      %swap3A_91 = arith.constant 32 : index
      %swap3A_92 = tpu.vector_load %arg7[%swap3A_90, %swap3A_91] {strides = array<i32>} : memref<64x128xf32, #tpu.memory_space<vmem>>, vector<1x16xf32>,
      %swap3A_93 = vector.shape_cast %swap3A_92 : vector<1x16xf32> to vector<16xf32>
      %swap3A_94 = vector.shape_cast %broadcast_in_dim3A_0 : vector<16xf32> to vector<1x16xf32>
      tpu.vector_store %arg7[%swap3A_90, %swap3A_91], %swap3A_94 {strides = array<i32>} : memref<64x128xf32, #tpu.memory_space<vmem>>, vector<1x16xf32>,
      %swap3A_95 = arith.index_cast %scan3A_80 : i32 to index
      %swap3A_96 = arith.constant 48 : index
      %swap3A_97 = tpu.vector_load %arg7[%swap3A_95, %swap3A_96] {strides = array<i32>} : memref<64x128xf32, #tpu.memory_space<vmem>>, vector<1x16xf32>,
      %swap3A_98 = vector.shape_cast %swap3A_97 : vector<1x16xf32> to vector<16xf32>
      %swap3A_99 = vector.shape_cast %broadcast_in_dim3A_0 : vector<16xf32> to vector<1x16xf32>
      tpu.vector_store %arg7[%swap3A_95, %swap3A_96], %swap3A_99 {strides = array<i32>} : memref<64x128xf32, #tpu.memory_space<vmem>>, vector<1x16xf32>,
      %swap3A_100 = arith.index_cast %scan3A_80 : i32 to index
      %swap3A_101 = arith.constant 64 : index
      %swap3A_102 = tpu.vector_load %arg7[%swap3A_100, %swap3A_101] {strides = array<i32>} : memref<64x128xf32, #tpu.memory_space<vmem>>, vector<1x16xf32>,
      %swap3A_103 = vector.shape_cast %swap3A_102 : vector<1x16xf32> to vector<16xf32>
      %swap3A_104 = vector.shape_cast %broadcast_in_dim3A_0 : vector<16xf32> to vector<1x16xf32>
      tpu.vector_store %arg7[%swap3A_100, %swap3A_101], %swap3A_104 {strides = array<i32>} : memref<64x128xf32, #tpu.memory_space<vmem>>, vector<1x16xf32>,
      %swap3A_105 = arith.index_cast %scan3A_80 : i32 to index
      %swap3A_106 = arith.constant 80 : index
      %swap3A_107 = tpu.vector_load %arg7[%swap3A_105, %swap3A_106] {strides = array<i32>} : memref<64x128xf32, #tpu.memory_space<vmem>>, vector<1x16xf32>,
      %swap3A_108 = vector.shape_cast %swap3A_107 : vector<1x16xf32> to vector<16xf32>
      %swap3A_109 = vector.shape_cast %broadcast_in_dim3A_0 : vector<16xf32> to vector<1x16xf32>
      tpu.vector_store %arg7[%swap3A_105, %swap3A_106], %swap3A_109 {strides = array<i32>} : memref<64x128xf32, #tpu.memory_space<vmem>>, vector<1x16xf32>,
      %swap3A_110 = arith.index_cast %scan3A_80 : i32 to index
      %swap3A_111 = arith.constant 96 : index
      %swap3A_112 = tpu.vector_load %arg7[%swap3A_110, %swap3A_111] {strides = array<i32>} : memref<64x128xf32, #tpu.memory_space<vmem>>, vector<1x16xf32>,
      %swap3A_113 = vector.shape_cast %swap3A_112 : vector<1x16xf32> to vector<16xf32>
      %swap3A_114 = vector.shape_cast %broadcast_in_dim3A_0 : vector<16xf32> to vector<1x16xf32>
      tpu.vector_store %arg7[%swap3A_110, %swap3A_111], %swap3A_114 {strides = array<i32>} : memref<64x128xf32, #tpu.memory_space<vmem>>, vector<1x16xf32>,
      %swap3A_115 = arith.index_cast %scan3A_80 : i32 to index
      %swap3A_116 = arith.constant 112 : index
      %swap3A_117 = tpu.vector_load %arg7[%swap3A_115, %swap3A_116] {strides = array<i32>} : memref<64x128xf32, #tpu.memory_space<vmem>>, vector<1x16xf32>,
      %swap3A_118 = vector.shape_cast %swap3A_117 : vector<1x16xf32> to vector<16xf32>
      %swap3A_119 = vector.shape_cast %broadcast_in_dim3A_0 : vector<16xf32> to vector<1x16xf32>
      tpu.vector_store %arg7[%swap3A_115, %swap3A_116], %swap3A_119 {strides = array<i32>} : memref<64x128xf32, #tpu.memory_space<vmem>>, vector<1x16xf32>,
    }
    %scan3A_5 = arith.constant 64 : i32
    %mul3A = arith.constant 640 : i32
    %mul3A_6 = arith.muli %arg1, %mul3A : i32
    %add3A = arith.constant 0 : i32
    %add3A_7 = arith.addi %mul3A_6, %add3A : i32
    "tpu.region"() ({
      %run_scoped3A = tpu.sem_alloc : memref<!tpu.dma_semaphore, #tpu.memory_space<semaphore_mem>>
      %dma_start3A = arith.constant 0 : i32
      %dma_start3A_80 = tpu.memref_slice %arg6[%add3A_7, %dma_start3A] : memref<10240x128xf32, #tpu.memory_space<vmem_shared>> -> memref<64x128xf32, #tpu.memory_space<vmem_shared>>
      %dma_start3A_81 = arith.constant 0 : i32
      %dma_start3A_82 = tpu.memref_slice %arg6[%add3A_7, %dma_start3A_81] : memref<10240x128xf32, #tpu.memory_space<vmem_shared>> -> memref<64x128xf32, #tpu.memory_space<vmem_shared>>
      tpu.enqueue_dma source(%arg7 : memref<64x128xf32, #tpu.memory_space<vmem>>) target(%dma_start3A_82 : memref<64x128xf32, #tpu.memory_space<vmem_shared>>) target_semaphore(%run_scoped3A : memref<!tpu.dma_semaphore, #tpu.memory_space<semaphore_mem>>)
      %dma_wait3A = arith.constant 0 : i32
      %dma_wait3A_83 = tpu.memref_slice %arg6[%add3A_7, %dma_wait3A] : memref<10240x128xf32, #tpu.memory_space<vmem_shared>> -> memref<64x128xf32, #tpu.memory_space<vmem_shared>>
      %dma_wait3A_84 = arith.constant 0 : i32
      %dma_wait3A_85 = tpu.memref_slice %arg6[%add3A_7, %dma_wait3A_84] : memref<10240x128xf32, #tpu.memory_space<vmem_shared>> -> memref<64x128xf32, #tpu.memory_space<vmem_shared>>
      tpu.wait_dma2 semaphore(%run_scoped3A : memref<!tpu.dma_semaphore, #tpu.memory_space<semaphore_mem>>) src(%arg7 : memref<64x128xf32, #tpu.memory_space<vmem>>) dst(%dma_wait3A_85 : memref<64x128xf32, #tpu.memory_space<vmem_shared>>)
      tpu.yield
    }) : () -> ()
    %add3A_8 = arith.constant 64 : i32
    %add3A_9 = arith.addi %mul3A_6, %add3A_8 : i32
    "tpu.region"() ({
      %run_scoped3A = tpu.sem_alloc : memref<!tpu.dma_semaphore, #tpu.memory_space<semaphore_mem>>
      %dma_start3A = arith.constant 0 : i32
      %dma_start3A_80 = tpu.memref_slice %arg6[%add3A_9, %dma_start3A] : memref<10240x128xf32, #tpu.memory_space<vmem_shared>> -> memref<64x128xf32, #tpu.memory_space<vmem_shared>>
      %dma_start3A_81 = arith.constant 0 : i32
      %dma_start3A_82 = tpu.memref_slice %arg6[%add3A_9, %dma_start3A_81] : memref<10240x128xf32, #tpu.memory_space<vmem_shared>> -> memref<64x128xf32, #tpu.memory_space<vmem_shared>>
      tpu.enqueue_dma source(%arg7 : memref<64x128xf32, #tpu.memory_space<vmem>>) target(%dma_start3A_82 : memref<64x128xf32, #tpu.memory_space<vmem_shared>>) target_semaphore(%run_scoped3A : memref<!tpu.dma_semaphore, #tpu.memory_space<semaphore_mem>>)
      %dma_wait3A = arith.constant 0 : i32
      %dma_wait3A_83 = tpu.memref_slice %arg6[%add3A_9, %dma_wait3A] : memref<10240x128xf32, #tpu.memory_space<vmem_shared>> -> memref<64x128xf32, #tpu.memory_space<vmem_shared>>
      %dma_wait3A_84 = arith.constant 0 : i32
      %dma_wait3A_85 = tpu.memref_slice %arg6[%add3A_9, %dma_wait3A_84] : memref<10240x128xf32, #tpu.memory_space<vmem_shared>> -> memref<64x128xf32, #tpu.memory_space<vmem_shared>>
      tpu.wait_dma2 semaphore(%run_scoped3A : memref<!tpu.dma_semaphore, #tpu.memory_space<semaphore_mem>>) src(%arg7 : memref<64x128xf32, #tpu.memory_space<vmem>>) dst(%dma_wait3A_85 : memref<64x128xf32, #tpu.memory_space<vmem_shared>>)
      tpu.yield
    }) : () -> ()
    %add3A_10 = arith.constant 128 : i32
    %add3A_11 = arith.addi %mul3A_6, %add3A_10 : i32
    "tpu.region"() ({
      %run_scoped3A = tpu.sem_alloc : memref<!tpu.dma_semaphore, #tpu.memory_space<semaphore_mem>>
      %dma_start3A = arith.constant 0 : i32
      %dma_start3A_80 = tpu.memref_slice %arg6[%add3A_11, %dma_start3A] : memref<10240x128xf32, #tpu.memory_space<vmem_shared>> -> memref<64x128xf32, #tpu.memory_space<vmem_shared>>
      %dma_start3A_81 = arith.constant 0 : i32
      %dma_start3A_82 = tpu.memref_slice %arg6[%add3A_11, %dma_start3A_81] : memref<10240x128xf32, #tpu.memory_space<vmem_shared>> -> memref<64x128xf32, #tpu.memory_space<vmem_shared>>
      tpu.enqueue_dma source(%arg7 : memref<64x128xf32, #tpu.memory_space<vmem>>) target(%dma_start3A_82 : memref<64x128xf32, #tpu.memory_space<vmem_shared>>) target_semaphore(%run_scoped3A : memref<!tpu.dma_semaphore, #tpu.memory_space<semaphore_mem>>)
      %dma_wait3A = arith.constant 0 : i32
      %dma_wait3A_83 = tpu.memref_slice %arg6[%add3A_11, %dma_wait3A] : memref<10240x128xf32, #tpu.memory_space<vmem_shared>> -> memref<64x128xf32, #tpu.memory_space<vmem_shared>>
      %dma_wait3A_84 = arith.constant 0 : i32
      %dma_wait3A_85 = tpu.memref_slice %arg6[%add3A_11, %dma_wait3A_84] : memref<10240x128xf32, #tpu.memory_space<vmem_shared>> -> memref<64x128xf32, #tpu.memory_space<vmem_shared>>
      tpu.wait_dma2 semaphore(%run_scoped3A : memref<!tpu.dma_semaphore, #tpu.memory_space<semaphore_mem>>) src(%arg7 : memref<64x128xf32, #tpu.memory_space<vmem>>) dst(%dma_wait3A_85 : memref<64x128xf32, #tpu.memory_space<vmem_shared>>)
      tpu.yield
    }) : () -> ()
    %add3A_12 = arith.constant 192 : i32
    %add3A_13 = arith.addi %mul3A_6, %add3A_12 : i32
    "tpu.region"() ({
      %run_scoped3A = tpu.sem_alloc : memref<!tpu.dma_semaphore, #tpu.memory_space<semaphore_mem>>
      %dma_start3A = arith.constant 0 : i32
      %dma_start3A_80 = tpu.memref_slice %arg6[%add3A_13, %dma_start3A] : memref<10240x128xf32, #tpu.memory_space<vmem_shared>> -> memref<64x128xf32, #tpu.memory_space<vmem_shared>>
      %dma_start3A_81 = arith.constant 0 : i32
      %dma_start3A_82 = tpu.memref_slice %arg6[%add3A_13, %dma_start3A_81] : memref<10240x128xf32, #tpu.memory_space<vmem_shared>> -> memref<64x128xf32, #tpu.memory_space<vmem_shared>>
      tpu.enqueue_dma source(%arg7 : memref<64x128xf32, #tpu.memory_space<vmem>>) target(%dma_start3A_82 : memref<64x128xf32, #tpu.memory_space<vmem_shared>>) target_semaphore(%run_scoped3A : memref<!tpu.dma_semaphore, #tpu.memory_space<semaphore_mem>>)
      %dma_wait3A = arith.constant 0 : i32
      %dma_wait3A_83 = tpu.memref_slice %arg6[%add3A_13, %dma_wait3A] : memref<10240x128xf32, #tpu.memory_space<vmem_shared>> -> memref<64x128xf32, #tpu.memory_space<vmem_shared>>
      %dma_wait3A_84 = arith.constant 0 : i32
      %dma_wait3A_85 = tpu.memref_slice %arg6[%add3A_13, %dma_wait3A_84] : memref<10240x128xf32, #tpu.memory_space<vmem_shared>> -> memref<64x128xf32, #tpu.memory_space<vmem_shared>>
      tpu.wait_dma2 semaphore(%run_scoped3A : memref<!tpu.dma_semaphore, #tpu.memory_space<semaphore_mem>>) src(%arg7 : memref<64x128xf32, #tpu.memory_space<vmem>>) dst(%dma_wait3A_85 : memref<64x128xf32, #tpu.memory_space<vmem_shared>>)
      tpu.yield
    }) : () -> ()
    %add3A_14 = arith.constant 256 : i32
    %add3A_15 = arith.addi %mul3A_6, %add3A_14 : i32
    "tpu.region"() ({
      %run_scoped3A = tpu.sem_alloc : memref<!tpu.dma_semaphore, #tpu.memory_space<semaphore_mem>>
      %dma_start3A = arith.constant 0 : i32
      %dma_start3A_80 = tpu.memref_slice %arg6[%add3A_15, %dma_start3A] : memref<10240x128xf32, #tpu.memory_space<vmem_shared>> -> memref<64x128xf32, #tpu.memory_space<vmem_shared>>
      %dma_start3A_81 = arith.constant 0 : i32
      %dma_start3A_82 = tpu.memref_slice %arg6[%add3A_15, %dma_start3A_81] : memref<10240x128xf32, #tpu.memory_space<vmem_shared>> -> memref<64x128xf32, #tpu.memory_space<vmem_shared>>
      tpu.enqueue_dma source(%arg7 : memref<64x128xf32, #tpu.memory_space<vmem>>) target(%dma_start3A_82 : memref<64x128xf32, #tpu.memory_space<vmem_shared>>) target_semaphore(%run_scoped3A : memref<!tpu.dma_semaphore, #tpu.memory_space<semaphore_mem>>)
      %dma_wait3A = arith.constant 0 : i32
      %dma_wait3A_83 = tpu.memref_slice %arg6[%add3A_15, %dma_wait3A] : memref<10240x128xf32, #tpu.memory_space<vmem_shared>> -> memref<64x128xf32, #tpu.memory_space<vmem_shared>>
      %dma_wait3A_84 = arith.constant 0 : i32
      %dma_wait3A_85 = tpu.memref_slice %arg6[%add3A_15, %dma_wait3A_84] : memref<10240x128xf32, #tpu.memory_space<vmem_shared>> -> memref<64x128xf32, #tpu.memory_space<vmem_shared>>
      tpu.wait_dma2 semaphore(%run_scoped3A : memref<!tpu.dma_semaphore, #tpu.memory_space<semaphore_mem>>) src(%arg7 : memref<64x128xf32, #tpu.memory_space<vmem>>) dst(%dma_wait3A_85 : memref<64x128xf32, #tpu.memory_space<vmem_shared>>)
      tpu.yield
    }) : () -> ()
    %add3A_16 = arith.constant 320 : i32
    %add3A_17 = arith.addi %mul3A_6, %add3A_16 : i32
    "tpu.region"() ({
      %run_scoped3A = tpu.sem_alloc : memref<!tpu.dma_semaphore, #tpu.memory_space<semaphore_mem>>
      %dma_start3A = arith.constant 0 : i32
      %dma_start3A_80 = tpu.memref_slice %arg6[%add3A_17, %dma_start3A] : memref<10240x128xf32, #tpu.memory_space<vmem_shared>> -> memref<64x128xf32, #tpu.memory_space<vmem_shared>>
      %dma_start3A_81 = arith.constant 0 : i32
      %dma_start3A_82 = tpu.memref_slice %arg6[%add3A_17, %dma_start3A_81] : memref<10240x128xf32, #tpu.memory_space<vmem_shared>> -> memref<64x128xf32, #tpu.memory_space<vmem_shared>>
      tpu.enqueue_dma source(%arg7 : memref<64x128xf32, #tpu.memory_space<vmem>>) target(%dma_start3A_82 : memref<64x128xf32, #tpu.memory_space<vmem_shared>>) target_semaphore(%run_scoped3A : memref<!tpu.dma_semaphore, #tpu.memory_space<semaphore_mem>>)
      %dma_wait3A = arith.constant 0 : i32
      %dma_wait3A_83 = tpu.memref_slice %arg6[%add3A_17, %dma_wait3A] : memref<10240x128xf32, #tpu.memory_space<vmem_shared>> -> memref<64x128xf32, #tpu.memory_space<vmem_shared>>
      %dma_wait3A_84 = arith.constant 0 : i32
      %dma_wait3A_85 = tpu.memref_slice %arg6[%add3A_17, %dma_wait3A_84] : memref<10240x128xf32, #tpu.memory_space<vmem_shared>> -> memref<64x128xf32, #tpu.memory_space<vmem_shared>>
      tpu.wait_dma2 semaphore(%run_scoped3A : memref<!tpu.dma_semaphore, #tpu.memory_space<semaphore_mem>>) src(%arg7 : memref<64x128xf32, #tpu.memory_space<vmem>>) dst(%dma_wait3A_85 : memref<64x128xf32, #tpu.memory_space<vmem_shared>>)
      tpu.yield
    }) : () -> ()
    %add3A_18 = arith.constant 384 : i32
    %add3A_19 = arith.addi %mul3A_6, %add3A_18 : i32
    "tpu.region"() ({
      %run_scoped3A = tpu.sem_alloc : memref<!tpu.dma_semaphore, #tpu.memory_space<semaphore_mem>>
      %dma_start3A = arith.constant 0 : i32
      %dma_start3A_80 = tpu.memref_slice %arg6[%add3A_19, %dma_start3A] : memref<10240x128xf32, #tpu.memory_space<vmem_shared>> -> memref<64x128xf32, #tpu.memory_space<vmem_shared>>
      %dma_start3A_81 = arith.constant 0 : i32
      %dma_start3A_82 = tpu.memref_slice %arg6[%add3A_19, %dma_start3A_81] : memref<10240x128xf32, #tpu.memory_space<vmem_shared>> -> memref<64x128xf32, #tpu.memory_space<vmem_shared>>
      tpu.enqueue_dma source(%arg7 : memref<64x128xf32, #tpu.memory_space<vmem>>) target(%dma_start3A_82 : memref<64x128xf32, #tpu.memory_space<vmem_shared>>) target_semaphore(%run_scoped3A : memref<!tpu.dma_semaphore, #tpu.memory_space<semaphore_mem>>)
      %dma_wait3A = arith.constant 0 : i32
      %dma_wait3A_83 = tpu.memref_slice %arg6[%add3A_19, %dma_wait3A] : memref<10240x128xf32, #tpu.memory_space<vmem_shared>> -> memref<64x128xf32, #tpu.memory_space<vmem_shared>>
      %dma_wait3A_84 = arith.constant 0 : i32
      %dma_wait3A_85 = tpu.memref_slice %arg6[%add3A_19, %dma_wait3A_84] : memref<10240x128xf32, #tpu.memory_space<vmem_shared>> -> memref<64x128xf32, #tpu.memory_space<vmem_shared>>
      tpu.wait_dma2 semaphore(%run_scoped3A : memref<!tpu.dma_semaphore, #tpu.memory_space<semaphore_mem>>) src(%arg7 : memref<64x128xf32, #tpu.memory_space<vmem>>) dst(%dma_wait3A_85 : memref<64x128xf32, #tpu.memory_space<vmem_shared>>)
      tpu.yield
    }) : () -> ()
    %add3A_20 = arith.constant 448 : i32
    %add3A_21 = arith.addi %mul3A_6, %add3A_20 : i32
    "tpu.region"() ({
      %run_scoped3A = tpu.sem_alloc : memref<!tpu.dma_semaphore, #tpu.memory_space<semaphore_mem>>
      %dma_start3A = arith.constant 0 : i32
      %dma_start3A_80 = tpu.memref_slice %arg6[%add3A_21, %dma_start3A] : memref<10240x128xf32, #tpu.memory_space<vmem_shared>> -> memref<64x128xf32, #tpu.memory_space<vmem_shared>>
      %dma_start3A_81 = arith.constant 0 : i32
      %dma_start3A_82 = tpu.memref_slice %arg6[%add3A_21, %dma_start3A_81] : memref<10240x128xf32, #tpu.memory_space<vmem_shared>> -> memref<64x128xf32, #tpu.memory_space<vmem_shared>>
      tpu.enqueue_dma source(%arg7 : memref<64x128xf32, #tpu.memory_space<vmem>>) target(%dma_start3A_82 : memref<64x128xf32, #tpu.memory_space<vmem_shared>>) target_semaphore(%run_scoped3A : memref<!tpu.dma_semaphore, #tpu.memory_space<semaphore_mem>>)
      %dma_wait3A = arith.constant 0 : i32
      %dma_wait3A_83 = tpu.memref_slice %arg6[%add3A_21, %dma_wait3A] : memref<10240x128xf32, #tpu.memory_space<vmem_shared>> -> memref<64x128xf32, #tpu.memory_space<vmem_shared>>
      %dma_wait3A_84 = arith.constant 0 : i32
      %dma_wait3A_85 = tpu.memref_slice %arg6[%add3A_21, %dma_wait3A_84] : memref<10240x128xf32, #tpu.memory_space<vmem_shared>> -> memref<64x128xf32, #tpu.memory_space<vmem_shared>>
      tpu.wait_dma2 semaphore(%run_scoped3A : memref<!tpu.dma_semaphore, #tpu.memory_space<semaphore_mem>>) src(%arg7 : memref<64x128xf32, #tpu.memory_space<vmem>>) dst(%dma_wait3A_85 : memref<64x128xf32, #tpu.memory_space<vmem_shared>>)
      tpu.yield
    }) : () -> ()
    %add3A_22 = arith.constant 512 : i32
    %add3A_23 = arith.addi %mul3A_6, %add3A_22 : i32
    "tpu.region"() ({
      %run_scoped3A = tpu.sem_alloc : memref<!tpu.dma_semaphore, #tpu.memory_space<semaphore_mem>>
      %dma_start3A = arith.constant 0 : i32
      %dma_start3A_80 = tpu.memref_slice %arg6[%add3A_23, %dma_start3A] : memref<10240x128xf32, #tpu.memory_space<vmem_shared>> -> memref<64x128xf32, #tpu.memory_space<vmem_shared>>
      %dma_start3A_81 = arith.constant 0 : i32
      %dma_start3A_82 = tpu.memref_slice %arg6[%add3A_23, %dma_start3A_81] : memref<10240x128xf32, #tpu.memory_space<vmem_shared>> -> memref<64x128xf32, #tpu.memory_space<vmem_shared>>
      tpu.enqueue_dma source(%arg7 : memref<64x128xf32, #tpu.memory_space<vmem>>) target(%dma_start3A_82 : memref<64x128xf32, #tpu.memory_space<vmem_shared>>) target_semaphore(%run_scoped3A : memref<!tpu.dma_semaphore, #tpu.memory_space<semaphore_mem>>)
      %dma_wait3A = arith.constant 0 : i32
      %dma_wait3A_83 = tpu.memref_slice %arg6[%add3A_23, %dma_wait3A] : memref<10240x128xf32, #tpu.memory_space<vmem_shared>> -> memref<64x128xf32, #tpu.memory_space<vmem_shared>>
      %dma_wait3A_84 = arith.constant 0 : i32
      %dma_wait3A_85 = tpu.memref_slice %arg6[%add3A_23, %dma_wait3A_84] : memref<10240x128xf32, #tpu.memory_space<vmem_shared>> -> memref<64x128xf32, #tpu.memory_space<vmem_shared>>
      tpu.wait_dma2 semaphore(%run_scoped3A : memref<!tpu.dma_semaphore, #tpu.memory_space<semaphore_mem>>) src(%arg7 : memref<64x128xf32, #tpu.memory_space<vmem>>) dst(%dma_wait3A_85 : memref<64x128xf32, #tpu.memory_space<vmem_shared>>)
      tpu.yield
    }) : () -> ()
    %add3A_24 = arith.constant 576 : i32
    %add3A_25 = arith.addi %mul3A_6, %add3A_24 : i32
    "tpu.region"() ({
      %run_scoped3A = tpu.sem_alloc : memref<!tpu.dma_semaphore, #tpu.memory_space<semaphore_mem>>
      %dma_start3A = arith.constant 0 : i32
      %dma_start3A_80 = tpu.memref_slice %arg6[%add3A_25, %dma_start3A] : memref<10240x128xf32, #tpu.memory_space<vmem_shared>> -> memref<64x128xf32, #tpu.memory_space<vmem_shared>>
      %dma_start3A_81 = arith.constant 0 : i32
      %dma_start3A_82 = tpu.memref_slice %arg6[%add3A_25, %dma_start3A_81] : memref<10240x128xf32, #tpu.memory_space<vmem_shared>> -> memref<64x128xf32, #tpu.memory_space<vmem_shared>>
      tpu.enqueue_dma source(%arg7 : memref<64x128xf32, #tpu.memory_space<vmem>>) target(%dma_start3A_82 : memref<64x128xf32, #tpu.memory_space<vmem_shared>>) target_semaphore(%run_scoped3A : memref<!tpu.dma_semaphore, #tpu.memory_space<semaphore_mem>>)
      %dma_wait3A = arith.constant 0 : i32
      %dma_wait3A_83 = tpu.memref_slice %arg6[%add3A_25, %dma_wait3A] : memref<10240x128xf32, #tpu.memory_space<vmem_shared>> -> memref<64x128xf32, #tpu.memory_space<vmem_shared>>
      %dma_wait3A_84 = arith.constant 0 : i32
      %dma_wait3A_85 = tpu.memref_slice %arg6[%add3A_25, %dma_wait3A_84] : memref<10240x128xf32, #tpu.memory_space<vmem_shared>> -> memref<64x128xf32, #tpu.memory_space<vmem_shared>>
      tpu.wait_dma2 semaphore(%run_scoped3A : memref<!tpu.dma_semaphore, #tpu.memory_space<semaphore_mem>>) src(%arg7 : memref<64x128xf32, #tpu.memory_space<vmem>>) dst(%dma_wait3A_85 : memref<64x128xf32, #tpu.memory_space<vmem_shared>>)
      tpu.yield
    }) : () -> ()
    %barrier3A = arith.constant 0 : index
    tpu.barrier barrier_id(%barrier3A)
    %scan3A_26 = arith.constant 0 : i32
    %scan3A_27 = arith.constant 0 : i32
    %scan3A_28 = arith.constant 79 : i32
    %scan3A_29 = arith.addi %scan3A_27, %scan3A_28 : i32
    %scan3A_30 = arith.constant 1 : i32
    scf.for %scan3A_80 = %scan3A_27 to %scan3A_29 step %scan3A_30  : i32 {
      %dma_start3A = arith.constant 0 : i32
      %dma_start3A_81 = tpu.memref_slice %arg8[%scan3A_80, %dma_start3A] : memref<79x128xi32, #tpu.memory_space<vmem>> -> memref<1x128xi32, #tpu.memory_space<vmem>>
      %dma_start3A_82 = tpu.memref_squeeze %dma_start3A_81 : memref<1x128xi32, #tpu.memory_space<vmem>> -> memref<128xi32, #tpu.memory_space<vmem>>
      %dma_start3A_83 = arith.constant 0 : i32
      %dma_start3A_84 = arith.constant 0 : i32
      %dma_start3A_85 = tpu.memref_slice %arg2[%dma_start3A_83, %dma_start3A_84] : memref<10000x256xf32, #tpu.memory_space<hbm>> -> memref<10000x128xf32, #tpu.memory_space<hbm>>
      tpu.enqueue_indirect_dma source(%dma_start3A_85 : memref<10000x128xf32, #tpu.memory_space<hbm>>) target(%arg10 : memref<128x128xf32, #tpu.memory_space<vmem>>) offsets(%dma_start3A_82 : memref<128xi32, #tpu.memory_space<vmem>>) semaphore(%arg11 : memref<!tpu.dma_semaphore, #tpu.memory_space<semaphore_mem>>)
      %dma_wait3A = arith.constant 0 : i32
      %dma_wait3A_86 = tpu.memref_slice %arg8[%scan3A_80, %dma_wait3A] : memref<79x128xi32, #tpu.memory_space<vmem>> -> memref<1x128xi32, #tpu.memory_space<vmem>>
      %dma_wait3A_87 = tpu.memref_squeeze %dma_wait3A_86 : memref<1x128xi32, #tpu.memory_space<vmem>> -> memref<128xi32, #tpu.memory_space<vmem>>
      %dma_wait3A_88 = arith.constant 0 : i32
      %dma_wait3A_89 = arith.constant 0 : i32
      %dma_wait3A_90 = tpu.memref_slice %arg2[%dma_wait3A_88, %dma_wait3A_89] : memref<10000x256xf32, #tpu.memory_space<hbm>> -> memref<10000x128xf32, #tpu.memory_space<hbm>>
      tpu.wait_indirect_dma semaphore(%arg11 : memref<!tpu.dma_semaphore, #tpu.memory_space<semaphore_mem>>) src(%dma_wait3A_90 : memref<10000x128xf32, #tpu.memory_space<hbm>>) dst(%arg10 : memref<128x128xf32, #tpu.memory_space<vmem>>)
      "tpu.region"() ({
        %run_scoped3A = tpu.sem_alloc : memref<!tpu.dma_semaphore, #tpu.memory_space<semaphore_mem>>
        %dma_start3A_91 = arith.constant 0 : i32
        %dma_start3A_92 = tpu.memref_slice %arg9[%scan3A_80, %dma_start3A_91] : memref<79x128xi32, #tpu.memory_space<vmem>> -> memref<1x128xi32, #tpu.memory_space<vmem>>
        %dma_start3A_93 = tpu.memref_squeeze %dma_start3A_92 : memref<1x128xi32, #tpu.memory_space<vmem>> -> memref<128xi32, #tpu.memory_space<vmem>>
        %dma_start3A_94 = arith.constant 0 : i32
        %dma_start3A_95 = arith.constant 0 : i32
        %dma_start3A_96 = tpu.memref_slice %arg6[%dma_start3A_94, %dma_start3A_95] : memref<10240x128xf32, #tpu.memory_space<vmem_shared>> -> memref<10240x128xf32, #tpu.memory_space<vmem_shared>>
        tpu.enqueue_indirect_dma source(%arg10 : memref<128x128xf32, #tpu.memory_space<vmem>>) target(%dma_start3A_96 : memref<10240x128xf32, #tpu.memory_space<vmem_shared>>) offsets(%dma_start3A_93 : memref<128xi32, #tpu.memory_space<vmem>>) semaphore(%run_scoped3A : memref<!tpu.dma_semaphore, #tpu.memory_space<semaphore_mem>>) {add = true}
        %dma_wait3A_97 = arith.constant 0 : i32
        %dma_wait3A_98 = tpu.memref_slice %arg9[%scan3A_80, %dma_wait3A_97] : memref<79x128xi32, #tpu.memory_space<vmem>> -> memref<1x128xi32, #tpu.memory_space<vmem>>
        %dma_wait3A_99 = tpu.memref_squeeze %dma_wait3A_98 : memref<1x128xi32, #tpu.memory_space<vmem>> -> memref<128xi32, #tpu.memory_space<vmem>>
        %dma_wait3A_100 = arith.constant 0 : i32
        %dma_wait3A_101 = arith.constant 0 : i32
        %dma_wait3A_102 = tpu.memref_slice %arg6[%dma_wait3A_100, %dma_wait3A_101] : memref<10240x128xf32, #tpu.memory_space<vmem_shared>> -> memref<10240x128xf32, #tpu.memory_space<vmem_shared>>
        tpu.wait_indirect_dma semaphore(%run_scoped3A : memref<!tpu.dma_semaphore, #tpu.memory_space<semaphore_mem>>) src(%arg10 : memref<128x128xf32, #tpu.memory_space<vmem>>) dst(%dma_wait3A_102 : memref<10240x128xf32, #tpu.memory_space<vmem_shared>>)
        tpu.yield
      }) : () -> ()
    }
    %scan3A_31 = arith.constant 79 : i32
    %barrier3A_32 = arith.constant 0 : index
    tpu.barrier barrier_id(%barrier3A_32)
    %mul3A_33 = arith.constant 640 : i32
    %mul3A_34 = arith.muli %arg1, %mul3A_33 : i32
    %mul3A_35 = arith.constant 640 : i32
    %mul3A_36 = arith.muli %arg1, %mul3A_35 : i32
    "tpu.region"() ({
      %run_scoped3A = tpu.sem_alloc : memref<!tpu.dma_semaphore, #tpu.memory_space<semaphore_mem>>
      %dma_start3A = arith.constant 0 : i32
      %dma_start3A_80 = tpu.memref_slice %arg5[%arg0, %mul3A_36, %dma_start3A] : memref<2x10000x256xf32, #tpu.memory_space<hbm>> -> memref<1x400x128xf32, #tpu.memory_space<hbm>>
      %dma_start3A_81 = tpu.memref_squeeze %dma_start3A_80 : memref<1x400x128xf32, #tpu.memory_space<hbm>> -> memref<400x128xf32, #tpu.memory_space<hbm>>
      %dma_start3A_82 = arith.constant 0 : i32
      %dma_start3A_83 = tpu.memref_slice %arg6[%mul3A_34, %dma_start3A_82] : memref<10240x128xf32, #tpu.memory_space<vmem_shared>> -> memref<400x128xf32, #tpu.memory_space<vmem_shared>>
      tpu.enqueue_dma source(%dma_start3A_83 : memref<400x128xf32, #tpu.memory_space<vmem_shared>>) target(%dma_start3A_81 : memref<400x128xf32, #tpu.memory_space<hbm>>) target_semaphore(%run_scoped3A : memref<!tpu.dma_semaphore, #tpu.memory_space<semaphore_mem>>)
      %dma_wait3A = arith.constant 0 : i32
      %dma_wait3A_84 = tpu.memref_slice %arg5[%arg0, %mul3A_36, %dma_wait3A] : memref<2x10000x256xf32, #tpu.memory_space<hbm>> -> memref<1x400x128xf32, #tpu.memory_space<hbm>>
      %dma_wait3A_85 = tpu.memref_squeeze %dma_wait3A_84 : memref<1x400x128xf32, #tpu.memory_space<hbm>> -> memref<400x128xf32, #tpu.memory_space<hbm>>
      %dma_wait3A_86 = arith.constant 0 : i32
      %dma_wait3A_87 = tpu.memref_slice %arg6[%mul3A_34, %dma_wait3A_86] : memref<10240x128xf32, #tpu.memory_space<vmem_shared>> -> memref<400x128xf32, #tpu.memory_space<vmem_shared>>
      tpu.wait_dma2 semaphore(%run_scoped3A : memref<!tpu.dma_semaphore, #tpu.memory_space<semaphore_mem>>) src(%dma_wait3A_87 : memref<400x128xf32, #tpu.memory_space<vmem_shared>>) dst(%dma_wait3A_85 : memref<400x128xf32, #tpu.memory_space<hbm>>)
      tpu.yield
    }) : () -> ()
    %lt3A = arith.constant 15 : i32
    %lt3A_37 = arith.cmpi slt, %arg1, %lt3A : i32
    %convert_element_type3A = arith.extui %lt3A_37 : i1 to i32
    %cond3A = arith.constant 0 : i32
    %cond3A_38 = arith.cmpi ne, %convert_element_type3A, %cond3A : i32
    scf.if %cond3A_38 {
      %mul3A_80 = arith.constant 640 : i32
      %mul3A_81 = arith.muli %arg1, %mul3A_80 : i32
      %add3A_82 = arith.constant 400 : i32
      %add3A_83 = arith.addi %mul3A_81, %add3A_82 : i32
      %mul3A_84 = arith.constant 640 : i32
      %mul3A_85 = arith.muli %arg1, %mul3A_84 : i32
      %add3A_86 = arith.constant 400 : i32
      %add3A_87 = arith.addi %mul3A_85, %add3A_86 : i32
      "tpu.region"() ({
        %run_scoped3A = tpu.sem_alloc : memref<!tpu.dma_semaphore, #tpu.memory_space<semaphore_mem>>
        %dma_start3A = arith.constant 0 : i32
        %dma_start3A_88 = tpu.memref_slice %arg5[%arg0, %add3A_87, %dma_start3A] : memref<2x10000x256xf32, #tpu.memory_space<hbm>> -> memref<1x240x128xf32, #tpu.memory_space<hbm>>
        %dma_start3A_89 = tpu.memref_squeeze %dma_start3A_88 : memref<1x240x128xf32, #tpu.memory_space<hbm>> -> memref<240x128xf32, #tpu.memory_space<hbm>>
        %dma_start3A_90 = arith.constant 0 : i32
        %dma_start3A_91 = tpu.memref_slice %arg6[%add3A_83, %dma_start3A_90] : memref<10240x128xf32, #tpu.memory_space<vmem_shared>> -> memref<240x128xf32, #tpu.memory_space<vmem_shared>>
        tpu.enqueue_dma source(%dma_start3A_91 : memref<240x128xf32, #tpu.memory_space<vmem_shared>>) target(%dma_start3A_89 : memref<240x128xf32, #tpu.memory_space<hbm>>) target_semaphore(%run_scoped3A : memref<!tpu.dma_semaphore, #tpu.memory_space<semaphore_mem>>)
        %dma_wait3A = arith.constant 0 : i32
        %dma_wait3A_92 = tpu.memref_slice %arg5[%arg0, %add3A_87, %dma_wait3A] : memref<2x10000x256xf32, #tpu.memory_space<hbm>> -> memref<1x240x128xf32, #tpu.memory_space<hbm>>
        %dma_wait3A_93 = tpu.memref_squeeze %dma_wait3A_92 : memref<1x240x128xf32, #tpu.memory_space<hbm>> -> memref<240x128xf32, #tpu.memory_space<hbm>>
        %dma_wait3A_94 = arith.constant 0 : i32
        %dma_wait3A_95 = tpu.memref_slice %arg6[%add3A_83, %dma_wait3A_94] : memref<10240x128xf32, #tpu.memory_space<vmem_shared>> -> memref<240x128xf32, #tpu.memory_space<vmem_shared>>
        tpu.wait_dma2 semaphore(%run_scoped3A : memref<!tpu.dma_semaphore, #tpu.memory_space<semaphore_mem>>) src(%dma_wait3A_95 : memref<240x128xf32, #tpu.memory_space<vmem_shared>>) dst(%dma_wait3A_93 : memref<240x128xf32, #tpu.memory_space<hbm>>)
        tpu.yield
      }) : () -> ()
    } else {
    }
    %barrier3A_39 = arith.constant 0 : index
    tpu.barrier barrier_id(%barrier3A_39)
    %mul3A_40 = arith.constant 640 : i32
    %mul3A_41 = arith.muli %arg1, %mul3A_40 : i32
    %add3A_42 = arith.constant 0 : i32
    %add3A_43 = arith.addi %mul3A_41, %add3A_42 : i32
    "tpu.region"() ({
      %run_scoped3A = tpu.sem_alloc : memref<!tpu.dma_semaphore, #tpu.memory_space<semaphore_mem>>
      %dma_start3A = arith.constant 0 : i32
      %dma_start3A_80 = tpu.memref_slice %arg6[%add3A_43, %dma_start3A] : memref<10240x128xf32, #tpu.memory_space<vmem_shared>> -> memref<64x128xf32, #tpu.memory_space<vmem_shared>>
      %dma_start3A_81 = arith.constant 0 : i32
      %dma_start3A_82 = tpu.memref_slice %arg6[%add3A_43, %dma_start3A_81] : memref<10240x128xf32, #tpu.memory_space<vmem_shared>> -> memref<64x128xf32, #tpu.memory_space<vmem_shared>>
      tpu.enqueue_dma source(%arg7 : memref<64x128xf32, #tpu.memory_space<vmem>>) target(%dma_start3A_82 : memref<64x128xf32, #tpu.memory_space<vmem_shared>>) target_semaphore(%run_scoped3A : memref<!tpu.dma_semaphore, #tpu.memory_space<semaphore_mem>>)
      %dma_wait3A = arith.constant 0 : i32
      %dma_wait3A_83 = tpu.memref_slice %arg6[%add3A_43, %dma_wait3A] : memref<10240x128xf32, #tpu.memory_space<vmem_shared>> -> memref<64x128xf32, #tpu.memory_space<vmem_shared>>
      %dma_wait3A_84 = arith.constant 0 : i32
      %dma_wait3A_85 = tpu.memref_slice %arg6[%add3A_43, %dma_wait3A_84] : memref<10240x128xf32, #tpu.memory_space<vmem_shared>> -> memref<64x128xf32, #tpu.memory_space<vmem_shared>>
      tpu.wait_dma2 semaphore(%run_scoped3A : memref<!tpu.dma_semaphore, #tpu.memory_space<semaphore_mem>>) src(%arg7 : memref<64x128xf32, #tpu.memory_space<vmem>>) dst(%dma_wait3A_85 : memref<64x128xf32, #tpu.memory_space<vmem_shared>>)
      tpu.yield
    }) : () -> ()
    %add3A_44 = arith.constant 64 : i32
    %add3A_45 = arith.addi %mul3A_41, %add3A_44 : i32
    "tpu.region"() ({
      %run_scoped3A = tpu.sem_alloc : memref<!tpu.dma_semaphore, #tpu.memory_space<semaphore_mem>>
      %dma_start3A = arith.constant 0 : i32
      %dma_start3A_80 = tpu.memref_slice %arg6[%add3A_45, %dma_start3A] : memref<10240x128xf32, #tpu.memory_space<vmem_shared>> -> memref<64x128xf32, #tpu.memory_space<vmem_shared>>
      %dma_start3A_81 = arith.constant 0 : i32
      %dma_start3A_82 = tpu.memref_slice %arg6[%add3A_45, %dma_start3A_81] : memref<10240x128xf32, #tpu.memory_space<vmem_shared>> -> memref<64x128xf32, #tpu.memory_space<vmem_shared>>
      tpu.enqueue_dma source(%arg7 : memref<64x128xf32, #tpu.memory_space<vmem>>) target(%dma_start3A_82 : memref<64x128xf32, #tpu.memory_space<vmem_shared>>) target_semaphore(%run_scoped3A : memref<!tpu.dma_semaphore, #tpu.memory_space<semaphore_mem>>)
      %dma_wait3A = arith.constant 0 : i32
      %dma_wait3A_83 = tpu.memref_slice %arg6[%add3A_45, %dma_wait3A] : memref<10240x128xf32, #tpu.memory_space<vmem_shared>> -> memref<64x128xf32, #tpu.memory_space<vmem_shared>>
      %dma_wait3A_84 = arith.constant 0 : i32
      %dma_wait3A_85 = tpu.memref_slice %arg6[%add3A_45, %dma_wait3A_84] : memref<10240x128xf32, #tpu.memory_space<vmem_shared>> -> memref<64x128xf32, #tpu.memory_space<vmem_shared>>
      tpu.wait_dma2 semaphore(%run_scoped3A : memref<!tpu.dma_semaphore, #tpu.memory_space<semaphore_mem>>) src(%arg7 : memref<64x128xf32, #tpu.memory_space<vmem>>) dst(%dma_wait3A_85 : memref<64x128xf32, #tpu.memory_space<vmem_shared>>)
      tpu.yield
    }) : () -> ()
    %add3A_46 = arith.constant 128 : i32
    %add3A_47 = arith.addi %mul3A_41, %add3A_46 : i32
    "tpu.region"() ({
      %run_scoped3A = tpu.sem_alloc : memref<!tpu.dma_semaphore, #tpu.memory_space<semaphore_mem>>
      %dma_start3A = arith.constant 0 : i32
      %dma_start3A_80 = tpu.memref_slice %arg6[%add3A_47, %dma_start3A] : memref<10240x128xf32, #tpu.memory_space<vmem_shared>> -> memref<64x128xf32, #tpu.memory_space<vmem_shared>>
      %dma_start3A_81 = arith.constant 0 : i32
      %dma_start3A_82 = tpu.memref_slice %arg6[%add3A_47, %dma_start3A_81] : memref<10240x128xf32, #tpu.memory_space<vmem_shared>> -> memref<64x128xf32, #tpu.memory_space<vmem_shared>>
      tpu.enqueue_dma source(%arg7 : memref<64x128xf32, #tpu.memory_space<vmem>>) target(%dma_start3A_82 : memref<64x128xf32, #tpu.memory_space<vmem_shared>>) target_semaphore(%run_scoped3A : memref<!tpu.dma_semaphore, #tpu.memory_space<semaphore_mem>>)
      %dma_wait3A = arith.constant 0 : i32
      %dma_wait3A_83 = tpu.memref_slice %arg6[%add3A_47, %dma_wait3A] : memref<10240x128xf32, #tpu.memory_space<vmem_shared>> -> memref<64x128xf32, #tpu.memory_space<vmem_shared>>
      %dma_wait3A_84 = arith.constant 0 : i32
      %dma_wait3A_85 = tpu.memref_slice %arg6[%add3A_47, %dma_wait3A_84] : memref<10240x128xf32, #tpu.memory_space<vmem_shared>> -> memref<64x128xf32, #tpu.memory_space<vmem_shared>>
      tpu.wait_dma2 semaphore(%run_scoped3A : memref<!tpu.dma_semaphore, #tpu.memory_space<semaphore_mem>>) src(%arg7 : memref<64x128xf32, #tpu.memory_space<vmem>>) dst(%dma_wait3A_85 : memref<64x128xf32, #tpu.memory_space<vmem_shared>>)
      tpu.yield
    }) : () -> ()
    %add3A_48 = arith.constant 192 : i32
    %add3A_49 = arith.addi %mul3A_41, %add3A_48 : i32
    "tpu.region"() ({
      %run_scoped3A = tpu.sem_alloc : memref<!tpu.dma_semaphore, #tpu.memory_space<semaphore_mem>>
      %dma_start3A = arith.constant 0 : i32
      %dma_start3A_80 = tpu.memref_slice %arg6[%add3A_49, %dma_start3A] : memref<10240x128xf32, #tpu.memory_space<vmem_shared>> -> memref<64x128xf32, #tpu.memory_space<vmem_shared>>
      %dma_start3A_81 = arith.constant 0 : i32
      %dma_start3A_82 = tpu.memref_slice %arg6[%add3A_49, %dma_start3A_81] : memref<10240x128xf32, #tpu.memory_space<vmem_shared>> -> memref<64x128xf32, #tpu.memory_space<vmem_shared>>
      tpu.enqueue_dma source(%arg7 : memref<64x128xf32, #tpu.memory_space<vmem>>) target(%dma_start3A_82 : memref<64x128xf32, #tpu.memory_space<vmem_shared>>) target_semaphore(%run_scoped3A : memref<!tpu.dma_semaphore, #tpu.memory_space<semaphore_mem>>)
      %dma_wait3A = arith.constant 0 : i32
      %dma_wait3A_83 = tpu.memref_slice %arg6[%add3A_49, %dma_wait3A] : memref<10240x128xf32, #tpu.memory_space<vmem_shared>> -> memref<64x128xf32, #tpu.memory_space<vmem_shared>>
      %dma_wait3A_84 = arith.constant 0 : i32
      %dma_wait3A_85 = tpu.memref_slice %arg6[%add3A_49, %dma_wait3A_84] : memref<10240x128xf32, #tpu.memory_space<vmem_shared>> -> memref<64x128xf32, #tpu.memory_space<vmem_shared>>
      tpu.wait_dma2 semaphore(%run_scoped3A : memref<!tpu.dma_semaphore, #tpu.memory_space<semaphore_mem>>) src(%arg7 : memref<64x128xf32, #tpu.memory_space<vmem>>) dst(%dma_wait3A_85 : memref<64x128xf32, #tpu.memory_space<vmem_shared>>)
      tpu.yield
    }) : () -> ()
    %add3A_50 = arith.constant 256 : i32
    %add3A_51 = arith.addi %mul3A_41, %add3A_50 : i32
    "tpu.region"() ({
      %run_scoped3A = tpu.sem_alloc : memref<!tpu.dma_semaphore, #tpu.memory_space<semaphore_mem>>
      %dma_start3A = arith.constant 0 : i32
      %dma_start3A_80 = tpu.memref_slice %arg6[%add3A_51, %dma_start3A] : memref<10240x128xf32, #tpu.memory_space<vmem_shared>> -> memref<64x128xf32, #tpu.memory_space<vmem_shared>>
      %dma_start3A_81 = arith.constant 0 : i32
      %dma_start3A_82 = tpu.memref_slice %arg6[%add3A_51, %dma_start3A_81] : memref<10240x128xf32, #tpu.memory_space<vmem_shared>> -> memref<64x128xf32, #tpu.memory_space<vmem_shared>>
      tpu.enqueue_dma source(%arg7 : memref<64x128xf32, #tpu.memory_space<vmem>>) target(%dma_start3A_82 : memref<64x128xf32, #tpu.memory_space<vmem_shared>>) target_semaphore(%run_scoped3A : memref<!tpu.dma_semaphore, #tpu.memory_space<semaphore_mem>>)
      %dma_wait3A = arith.constant 0 : i32
      %dma_wait3A_83 = tpu.memref_slice %arg6[%add3A_51, %dma_wait3A] : memref<10240x128xf32, #tpu.memory_space<vmem_shared>> -> memref<64x128xf32, #tpu.memory_space<vmem_shared>>
      %dma_wait3A_84 = arith.constant 0 : i32
      %dma_wait3A_85 = tpu.memref_slice %arg6[%add3A_51, %dma_wait3A_84] : memref<10240x128xf32, #tpu.memory_space<vmem_shared>> -> memref<64x128xf32, #tpu.memory_space<vmem_shared>>
      tpu.wait_dma2 semaphore(%run_scoped3A : memref<!tpu.dma_semaphore, #tpu.memory_space<semaphore_mem>>) src(%arg7 : memref<64x128xf32, #tpu.memory_space<vmem>>) dst(%dma_wait3A_85 : memref<64x128xf32, #tpu.memory_space<vmem_shared>>)
      tpu.yield
    }) : () -> ()
    %add3A_52 = arith.constant 320 : i32
    %add3A_53 = arith.addi %mul3A_41, %add3A_52 : i32
    "tpu.region"() ({
      %run_scoped3A = tpu.sem_alloc : memref<!tpu.dma_semaphore, #tpu.memory_space<semaphore_mem>>
      %dma_start3A = arith.constant 0 : i32
      %dma_start3A_80 = tpu.memref_slice %arg6[%add3A_53, %dma_start3A] : memref<10240x128xf32, #tpu.memory_space<vmem_shared>> -> memref<64x128xf32, #tpu.memory_space<vmem_shared>>
      %dma_start3A_81 = arith.constant 0 : i32
      %dma_start3A_82 = tpu.memref_slice %arg6[%add3A_53, %dma_start3A_81] : memref<10240x128xf32, #tpu.memory_space<vmem_shared>> -> memref<64x128xf32, #tpu.memory_space<vmem_shared>>
      tpu.enqueue_dma source(%arg7 : memref<64x128xf32, #tpu.memory_space<vmem>>) target(%dma_start3A_82 : memref<64x128xf32, #tpu.memory_space<vmem_shared>>) target_semaphore(%run_scoped3A : memref<!tpu.dma_semaphore, #tpu.memory_space<semaphore_mem>>)
      %dma_wait3A = arith.constant 0 : i32
      %dma_wait3A_83 = tpu.memref_slice %arg6[%add3A_53, %dma_wait3A] : memref<10240x128xf32, #tpu.memory_space<vmem_shared>> -> memref<64x128xf32, #tpu.memory_space<vmem_shared>>
      %dma_wait3A_84 = arith.constant 0 : i32
      %dma_wait3A_85 = tpu.memref_slice %arg6[%add3A_53, %dma_wait3A_84] : memref<10240x128xf32, #tpu.memory_space<vmem_shared>> -> memref<64x128xf32, #tpu.memory_space<vmem_shared>>
      tpu.wait_dma2 semaphore(%run_scoped3A : memref<!tpu.dma_semaphore, #tpu.memory_space<semaphore_mem>>) src(%arg7 : memref<64x128xf32, #tpu.memory_space<vmem>>) dst(%dma_wait3A_85 : memref<64x128xf32, #tpu.memory_space<vmem_shared>>)
      tpu.yield
    }) : () -> ()
    %add3A_54 = arith.constant 384 : i32
    %add3A_55 = arith.addi %mul3A_41, %add3A_54 : i32
    "tpu.region"() ({
      %run_scoped3A = tpu.sem_alloc : memref<!tpu.dma_semaphore, #tpu.memory_space<semaphore_mem>>
      %dma_start3A = arith.constant 0 : i32
      %dma_start3A_80 = tpu.memref_slice %arg6[%add3A_55, %dma_start3A] : memref<10240x128xf32, #tpu.memory_space<vmem_shared>> -> memref<64x128xf32, #tpu.memory_space<vmem_shared>>
      %dma_start3A_81 = arith.constant 0 : i32
      %dma_start3A_82 = tpu.memref_slice %arg6[%add3A_55, %dma_start3A_81] : memref<10240x128xf32, #tpu.memory_space<vmem_shared>> -> memref<64x128xf32, #tpu.memory_space<vmem_shared>>
      tpu.enqueue_dma source(%arg7 : memref<64x128xf32, #tpu.memory_space<vmem>>) target(%dma_start3A_82 : memref<64x128xf32, #tpu.memory_space<vmem_shared>>) target_semaphore(%run_scoped3A : memref<!tpu.dma_semaphore, #tpu.memory_space<semaphore_mem>>)
      %dma_wait3A = arith.constant 0 : i32
      %dma_wait3A_83 = tpu.memref_slice %arg6[%add3A_55, %dma_wait3A] : memref<10240x128xf32, #tpu.memory_space<vmem_shared>> -> memref<64x128xf32, #tpu.memory_space<vmem_shared>>
      %dma_wait3A_84 = arith.constant 0 : i32
      %dma_wait3A_85 = tpu.memref_slice %arg6[%add3A_55, %dma_wait3A_84] : memref<10240x128xf32, #tpu.memory_space<vmem_shared>> -> memref<64x128xf32, #tpu.memory_space<vmem_shared>>
      tpu.wait_dma2 semaphore(%run_scoped3A : memref<!tpu.dma_semaphore, #tpu.memory_space<semaphore_mem>>) src(%arg7 : memref<64x128xf32, #tpu.memory_space<vmem>>) dst(%dma_wait3A_85 : memref<64x128xf32, #tpu.memory_space<vmem_shared>>)
      tpu.yield
    }) : () -> ()
    %add3A_56 = arith.constant 448 : i32
    %add3A_57 = arith.addi %mul3A_41, %add3A_56 : i32
    "tpu.region"() ({
      %run_scoped3A = tpu.sem_alloc : memref<!tpu.dma_semaphore, #tpu.memory_space<semaphore_mem>>
      %dma_start3A = arith.constant 0 : i32
      %dma_start3A_80 = tpu.memref_slice %arg6[%add3A_57, %dma_start3A] : memref<10240x128xf32, #tpu.memory_space<vmem_shared>> -> memref<64x128xf32, #tpu.memory_space<vmem_shared>>
      %dma_start3A_81 = arith.constant 0 : i32
      %dma_start3A_82 = tpu.memref_slice %arg6[%add3A_57, %dma_start3A_81] : memref<10240x128xf32, #tpu.memory_space<vmem_shared>> -> memref<64x128xf32, #tpu.memory_space<vmem_shared>>
      tpu.enqueue_dma source(%arg7 : memref<64x128xf32, #tpu.memory_space<vmem>>) target(%dma_start3A_82 : memref<64x128xf32, #tpu.memory_space<vmem_shared>>) target_semaphore(%run_scoped3A : memref<!tpu.dma_semaphore, #tpu.memory_space<semaphore_mem>>)
      %dma_wait3A = arith.constant 0 : i32
      %dma_wait3A_83 = tpu.memref_slice %arg6[%add3A_57, %dma_wait3A] : memref<10240x128xf32, #tpu.memory_space<vmem_shared>> -> memref<64x128xf32, #tpu.memory_space<vmem_shared>>
      %dma_wait3A_84 = arith.constant 0 : i32
      %dma_wait3A_85 = tpu.memref_slice %arg6[%add3A_57, %dma_wait3A_84] : memref<10240x128xf32, #tpu.memory_space<vmem_shared>> -> memref<64x128xf32, #tpu.memory_space<vmem_shared>>
      tpu.wait_dma2 semaphore(%run_scoped3A : memref<!tpu.dma_semaphore, #tpu.memory_space<semaphore_mem>>) src(%arg7 : memref<64x128xf32, #tpu.memory_space<vmem>>) dst(%dma_wait3A_85 : memref<64x128xf32, #tpu.memory_space<vmem_shared>>)
      tpu.yield
    }) : () -> ()
    %add3A_58 = arith.constant 512 : i32
    %add3A_59 = arith.addi %mul3A_41, %add3A_58 : i32
    "tpu.region"() ({
      %run_scoped3A = tpu.sem_alloc : memref<!tpu.dma_semaphore, #tpu.memory_space<semaphore_mem>>
      %dma_start3A = arith.constant 0 : i32
      %dma_start3A_80 = tpu.memref_slice %arg6[%add3A_59, %dma_start3A] : memref<10240x128xf32, #tpu.memory_space<vmem_shared>> -> memref<64x128xf32, #tpu.memory_space<vmem_shared>>
      %dma_start3A_81 = arith.constant 0 : i32
      %dma_start3A_82 = tpu.memref_slice %arg6[%add3A_59, %dma_start3A_81] : memref<10240x128xf32, #tpu.memory_space<vmem_shared>> -> memref<64x128xf32, #tpu.memory_space<vmem_shared>>
      tpu.enqueue_dma source(%arg7 : memref<64x128xf32, #tpu.memory_space<vmem>>) target(%dma_start3A_82 : memref<64x128xf32, #tpu.memory_space<vmem_shared>>) target_semaphore(%run_scoped3A : memref<!tpu.dma_semaphore, #tpu.memory_space<semaphore_mem>>)
      %dma_wait3A = arith.constant 0 : i32
      %dma_wait3A_83 = tpu.memref_slice %arg6[%add3A_59, %dma_wait3A] : memref<10240x128xf32, #tpu.memory_space<vmem_shared>> -> memref<64x128xf32, #tpu.memory_space<vmem_shared>>
      %dma_wait3A_84 = arith.constant 0 : i32
      %dma_wait3A_85 = tpu.memref_slice %arg6[%add3A_59, %dma_wait3A_84] : memref<10240x128xf32, #tpu.memory_space<vmem_shared>> -> memref<64x128xf32, #tpu.memory_space<vmem_shared>>
      tpu.wait_dma2 semaphore(%run_scoped3A : memref<!tpu.dma_semaphore, #tpu.memory_space<semaphore_mem>>) src(%arg7 : memref<64x128xf32, #tpu.memory_space<vmem>>) dst(%dma_wait3A_85 : memref<64x128xf32, #tpu.memory_space<vmem_shared>>)
      tpu.yield
    }) : () -> ()
    %add3A_60 = arith.constant 576 : i32
    %add3A_61 = arith.addi %mul3A_41, %add3A_60 : i32
    "tpu.region"() ({
      %run_scoped3A = tpu.sem_alloc : memref<!tpu.dma_semaphore, #tpu.memory_space<semaphore_mem>>
      %dma_start3A = arith.constant 0 : i32
      %dma_start3A_80 = tpu.memref_slice %arg6[%add3A_61, %dma_start3A] : memref<10240x128xf32, #tpu.memory_space<vmem_shared>> -> memref<64x128xf32, #tpu.memory_space<vmem_shared>>
      %dma_start3A_81 = arith.constant 0 : i32
      %dma_start3A_82 = tpu.memref_slice %arg6[%add3A_61, %dma_start3A_81] : memref<10240x128xf32, #tpu.memory_space<vmem_shared>> -> memref<64x128xf32, #tpu.memory_space<vmem_shared>>
      tpu.enqueue_dma source(%arg7 : memref<64x128xf32, #tpu.memory_space<vmem>>) target(%dma_start3A_82 : memref<64x128xf32, #tpu.memory_space<vmem_shared>>) target_semaphore(%run_scoped3A : memref<!tpu.dma_semaphore, #tpu.memory_space<semaphore_mem>>)
      %dma_wait3A = arith.constant 0 : i32
      %dma_wait3A_83 = tpu.memref_slice %arg6[%add3A_61, %dma_wait3A] : memref<10240x128xf32, #tpu.memory_space<vmem_shared>> -> memref<64x128xf32, #tpu.memory_space<vmem_shared>>
      %dma_wait3A_84 = arith.constant 0 : i32
      %dma_wait3A_85 = tpu.memref_slice %arg6[%add3A_61, %dma_wait3A_84] : memref<10240x128xf32, #tpu.memory_space<vmem_shared>> -> memref<64x128xf32, #tpu.memory_space<vmem_shared>>
      tpu.wait_dma2 semaphore(%run_scoped3A : memref<!tpu.dma_semaphore, #tpu.memory_space<semaphore_mem>>) src(%arg7 : memref<64x128xf32, #tpu.memory_space<vmem>>) dst(%dma_wait3A_85 : memref<64x128xf32, #tpu.memory_space<vmem_shared>>)
      tpu.yield
    }) : () -> ()
    %barrier3A_62 = arith.constant 0 : index
    tpu.barrier barrier_id(%barrier3A_62)
    %scan3A_63 = arith.constant 0 : i32
    %scan3A_64 = arith.constant 0 : i32
    %scan3A_65 = arith.constant 79 : i32
    %scan3A_66 = arith.addi %scan3A_64, %scan3A_65 : i32
    %scan3A_67 = arith.constant 1 : i32
    scf.for %scan3A_80 = %scan3A_64 to %scan3A_66 step %scan3A_67  : i32 {
      %dma_start3A = arith.constant 0 : i32
      %dma_start3A_81 = tpu.memref_slice %arg8[%scan3A_80, %dma_start3A] : memref<79x128xi32, #tpu.memory_space<vmem>> -> memref<1x128xi32, #tpu.memory_space<vmem>>
      %dma_start3A_82 = tpu.memref_squeeze %dma_start3A_81 : memref<1x128xi32, #tpu.memory_space<vmem>> -> memref<128xi32, #tpu.memory_space<vmem>>
      %dma_start3A_83 = arith.constant 0 : i32
      %dma_start3A_84 = arith.constant 128 : i32
      %dma_start3A_85 = tpu.memref_slice %arg2[%dma_start3A_83, %dma_start3A_84] : memref<10000x256xf32, #tpu.memory_space<hbm>> -> memref<10000x128xf32, #tpu.memory_space<hbm>>
      tpu.enqueue_indirect_dma source(%dma_start3A_85 : memref<10000x128xf32, #tpu.memory_space<hbm>>) target(%arg10 : memref<128x128xf32, #tpu.memory_space<vmem>>) offsets(%dma_start3A_82 : memref<128xi32, #tpu.memory_space<vmem>>) semaphore(%arg11 : memref<!tpu.dma_semaphore, #tpu.memory_space<semaphore_mem>>)
      %dma_wait3A = arith.constant 0 : i32
      %dma_wait3A_86 = tpu.memref_slice %arg8[%scan3A_80, %dma_wait3A] : memref<79x128xi32, #tpu.memory_space<vmem>> -> memref<1x128xi32, #tpu.memory_space<vmem>>
      %dma_wait3A_87 = tpu.memref_squeeze %dma_wait3A_86 : memref<1x128xi32, #tpu.memory_space<vmem>> -> memref<128xi32, #tpu.memory_space<vmem>>
      %dma_wait3A_88 = arith.constant 0 : i32
      %dma_wait3A_89 = arith.constant 128 : i32
      %dma_wait3A_90 = tpu.memref_slice %arg2[%dma_wait3A_88, %dma_wait3A_89] : memref<10000x256xf32, #tpu.memory_space<hbm>> -> memref<10000x128xf32, #tpu.memory_space<hbm>>
      tpu.wait_indirect_dma semaphore(%arg11 : memref<!tpu.dma_semaphore, #tpu.memory_space<semaphore_mem>>) src(%dma_wait3A_90 : memref<10000x128xf32, #tpu.memory_space<hbm>>) dst(%arg10 : memref<128x128xf32, #tpu.memory_space<vmem>>)
      "tpu.region"() ({
        %run_scoped3A = tpu.sem_alloc : memref<!tpu.dma_semaphore, #tpu.memory_space<semaphore_mem>>
        %dma_start3A_91 = arith.constant 0 : i32
        %dma_start3A_92 = tpu.memref_slice %arg9[%scan3A_80, %dma_start3A_91] : memref<79x128xi32, #tpu.memory_space<vmem>> -> memref<1x128xi32, #tpu.memory_space<vmem>>
        %dma_start3A_93 = tpu.memref_squeeze %dma_start3A_92 : memref<1x128xi32, #tpu.memory_space<vmem>> -> memref<128xi32, #tpu.memory_space<vmem>>
        %dma_start3A_94 = arith.constant 0 : i32
        %dma_start3A_95 = arith.constant 0 : i32
        %dma_start3A_96 = tpu.memref_slice %arg6[%dma_start3A_94, %dma_start3A_95] : memref<10240x128xf32, #tpu.memory_space<vmem_shared>> -> memref<10240x128xf32, #tpu.memory_space<vmem_shared>>
        tpu.enqueue_indirect_dma source(%arg10 : memref<128x128xf32, #tpu.memory_space<vmem>>) target(%dma_start3A_96 : memref<10240x128xf32, #tpu.memory_space<vmem_shared>>) offsets(%dma_start3A_93 : memref<128xi32, #tpu.memory_space<vmem>>) semaphore(%run_scoped3A : memref<!tpu.dma_semaphore, #tpu.memory_space<semaphore_mem>>) {add = true}
        %dma_wait3A_97 = arith.constant 0 : i32
        %dma_wait3A_98 = tpu.memref_slice %arg9[%scan3A_80, %dma_wait3A_97] : memref<79x128xi32, #tpu.memory_space<vmem>> -> memref<1x128xi32, #tpu.memory_space<vmem>>
        %dma_wait3A_99 = tpu.memref_squeeze %dma_wait3A_98 : memref<1x128xi32, #tpu.memory_space<vmem>> -> memref<128xi32, #tpu.memory_space<vmem>>
        %dma_wait3A_100 = arith.constant 0 : i32
        %dma_wait3A_101 = arith.constant 0 : i32
        %dma_wait3A_102 = tpu.memref_slice %arg6[%dma_wait3A_100, %dma_wait3A_101] : memref<10240x128xf32, #tpu.memory_space<vmem_shared>> -> memref<10240x128xf32, #tpu.memory_space<vmem_shared>>
        tpu.wait_indirect_dma semaphore(%run_scoped3A : memref<!tpu.dma_semaphore, #tpu.memory_space<semaphore_mem>>) src(%arg10 : memref<128x128xf32, #tpu.memory_space<vmem>>) dst(%dma_wait3A_102 : memref<10240x128xf32, #tpu.memory_space<vmem_shared>>)
        tpu.yield
      }) : () -> ()
    }
    %scan3A_68 = arith.constant 79 : i32
    %barrier3A_69 = arith.constant 0 : index
    tpu.barrier barrier_id(%barrier3A_69)
    %mul3A_70 = arith.constant 640 : i32
    %mul3A_71 = arith.muli %arg1, %mul3A_70 : i32
    %mul3A_72 = arith.constant 640 : i32
    %mul3A_73 = arith.muli %arg1, %mul3A_72 : i32
    "tpu.region"() ({
      %run_scoped3A = tpu.sem_alloc : memref<!tpu.dma_semaphore, #tpu.memory_space<semaphore_mem>>
      %dma_start3A = arith.constant 128 : i32
      %dma_start3A_80 = tpu.memref_slice %arg5[%arg0, %mul3A_73, %dma_start3A] : memref<2x10000x256xf32, #tpu.memory_space<hbm>> -> memref<1x400x128xf32, #tpu.memory_space<hbm>>
      %dma_start3A_81 = tpu.memref_squeeze %dma_start3A_80 : memref<1x400x128xf32, #tpu.memory_space<hbm>> -> memref<400x128xf32, #tpu.memory_space<hbm>>
      %dma_start3A_82 = arith.constant 0 : i32
      %dma_start3A_83 = tpu.memref_slice %arg6[%mul3A_71, %dma_start3A_82] : memref<10240x128xf32, #tpu.memory_space<vmem_shared>> -> memref<400x128xf32, #tpu.memory_space<vmem_shared>>
      tpu.enqueue_dma source(%dma_start3A_83 : memref<400x128xf32, #tpu.memory_space<vmem_shared>>) target(%dma_start3A_81 : memref<400x128xf32, #tpu.memory_space<hbm>>) target_semaphore(%run_scoped3A : memref<!tpu.dma_semaphore, #tpu.memory_space<semaphore_mem>>)
      %dma_wait3A = arith.constant 128 : i32
      %dma_wait3A_84 = tpu.memref_slice %arg5[%arg0, %mul3A_73, %dma_wait3A] : memref<2x10000x256xf32, #tpu.memory_space<hbm>> -> memref<1x400x128xf32, #tpu.memory_space<hbm>>
      %dma_wait3A_85 = tpu.memref_squeeze %dma_wait3A_84 : memref<1x400x128xf32, #tpu.memory_space<hbm>> -> memref<400x128xf32, #tpu.memory_space<hbm>>
      %dma_wait3A_86 = arith.constant 0 : i32
      %dma_wait3A_87 = tpu.memref_slice %arg6[%mul3A_71, %dma_wait3A_86] : memref<10240x128xf32, #tpu.memory_space<vmem_shared>> -> memref<400x128xf32, #tpu.memory_space<vmem_shared>>
      tpu.wait_dma2 semaphore(%run_scoped3A : memref<!tpu.dma_semaphore, #tpu.memory_space<semaphore_mem>>) src(%dma_wait3A_87 : memref<400x128xf32, #tpu.memory_space<vmem_shared>>) dst(%dma_wait3A_85 : memref<400x128xf32, #tpu.memory_space<hbm>>)
      tpu.yield
    }) : () -> ()
    %lt3A_74 = arith.constant 15 : i32
    %lt3A_75 = arith.cmpi slt, %arg1, %lt3A_74 : i32
    %convert_element_type3A_76 = arith.extui %lt3A_75 : i1 to i32
    %cond3A_77 = arith.constant 0 : i32
    %cond3A_78 = arith.cmpi ne, %convert_element_type3A_76, %cond3A_77 : i32
    scf.if %cond3A_78 {
      %mul3A_80 = arith.constant 640 : i32
      %mul3A_81 = arith.muli %arg1, %mul3A_80 : i32
      %add3A_82 = arith.constant 400 : i32
      %add3A_83 = arith.addi %mul3A_81, %add3A_82 : i32
      %mul3A_84 = arith.constant 640 : i32
      %mul3A_85 = arith.muli %arg1, %mul3A_84 : i32
      %add3A_86 = arith.constant 400 : i32
      %add3A_87 = arith.addi %mul3A_85, %add3A_86 : i32
      "tpu.region"() ({
        %run_scoped3A = tpu.sem_alloc : memref<!tpu.dma_semaphore, #tpu.memory_space<semaphore_mem>>
        %dma_start3A = arith.constant 128 : i32
        %dma_start3A_88 = tpu.memref_slice %arg5[%arg0, %add3A_87, %dma_start3A] : memref<2x10000x256xf32, #tpu.memory_space<hbm>> -> memref<1x240x128xf32, #tpu.memory_space<hbm>>
        %dma_start3A_89 = tpu.memref_squeeze %dma_start3A_88 : memref<1x240x128xf32, #tpu.memory_space<hbm>> -> memref<240x128xf32, #tpu.memory_space<hbm>>
        %dma_start3A_90 = arith.constant 0 : i32
        %dma_start3A_91 = tpu.memref_slice %arg6[%add3A_83, %dma_start3A_90] : memref<10240x128xf32, #tpu.memory_space<vmem_shared>> -> memref<240x128xf32, #tpu.memory_space<vmem_shared>>
        tpu.enqueue_dma source(%dma_start3A_91 : memref<240x128xf32, #tpu.memory_space<vmem_shared>>) target(%dma_start3A_89 : memref<240x128xf32, #tpu.memory_space<hbm>>) target_semaphore(%run_scoped3A : memref<!tpu.dma_semaphore, #tpu.memory_space<semaphore_mem>>)
        %dma_wait3A = arith.constant 128 : i32
        %dma_wait3A_92 = tpu.memref_slice %arg5[%arg0, %add3A_87, %dma_wait3A] : memref<2x10000x256xf32, #tpu.memory_space<hbm>> -> memref<1x240x128xf32, #tpu.memory_space<hbm>>
        %dma_wait3A_93 = tpu.memref_squeeze %dma_wait3A_92 : memref<1x240x128xf32, #tpu.memory_space<hbm>> -> memref<240x128xf32, #tpu.memory_space<hbm>>
        %dma_wait3A_94 = arith.constant 0 : i32
        %dma_wait3A_95 = tpu.memref_slice %arg6[%add3A_83, %dma_wait3A_94] : memref<10240x128xf32, #tpu.memory_space<vmem_shared>> -> memref<240x128xf32, #tpu.memory_space<vmem_shared>>
        tpu.wait_dma2 semaphore(%run_scoped3A : memref<!tpu.dma_semaphore, #tpu.memory_space<semaphore_mem>>) src(%dma_wait3A_95 : memref<240x128xf32, #tpu.memory_space<vmem_shared>>) dst(%dma_wait3A_93 : memref<240x128xf32, #tpu.memory_space<hbm>>)
        tpu.yield
      }) : () -> ()
    } else {
    }
    %barrier3A_79 = arith.constant 0 : index
    tpu.barrier barrier_id(%barrier3A_79)
    return
  }
}

</mosaic_0001>

<sc_bundles>
// kernel: kernel.3.cloned.1.call-start
scs
__scs_entry_jumppad:
0x0: {  	(pc) =	sbr.rel $0x88, $3  }
0x1: {  	(tag) =	ssettag $0x0;
	lr =	simm.s32 $0x1  }
0x2: {  	[smem:$0x3F9E] =	sst lr;
	_ =	strace $0xD0000000  }
0x3: {  	_ = 	snop  }
0x4: {  	_ = 	snop  }
0x5: {  	_ = 	snop  }
0x6: {  	_ = 	snop  }
0x7: {  	_ = 	snop  }
__scs_overlays_trampoline_lowered:
0x8: {  	[smem:$0x3FAD] =	sst s0  }
0x9: {  	[smem:$0x3FAE] =	sst s1  }
0xa: {  	[smem:$0x3FAF] =	sst s2  }
0xb: {  	[smem:$0x3FB0] =	sst s3  }
0xc: {  	[smem:$0x3FB1] =	sst s4  }
0xd: {  	[smem:$0x3FB2] =	sst s5  }
0xe: {  	[smem:$0x3FB3] =	sst s6  }
0xf: {  	[smem:$0x3FB4] =	sst s7  }
0x10: {  	[smem:$0x3FB5] =	sst s8  }
0x11: {  	[smem:$0x3FB6] =	sst s9;
	s0 =	simm.s32 @!p0 $0x0  }
0x12: {  	s1 =	sld [smem:$0x3F9C];
	s0 =	simm.s32 @p0 $0x1  }
0x13: {  	[smem:$0x3FB7] =	sst s0;
	s0 =	simm.s32 @!p1 $0x0  }
0x14: {  	s2 =	sld [smem:$0x3F9B];
	s0 =	simm.s32 @p1 $0x1  }
0x15: {  	[smem:$0x3FB8] =	sst s0;
	s0 =	simm.s32 @!p2 $0x0  }
0x16: {  	s3 =	sld [smem:$0x3FDB];
	s0 =	simm.s32 @p2 $0x1  }
0x17: {  	s4 =	simm.s32 $0x1BF5;
	[smem:$0x3FBA] =	sst s0  }
0x18: {  	s0 =	sld [smem:$0x3F9D];
	_ =	swait.ge [sflag:s4], $0x0  }
0x19: {  	s7 =	sld [smem:$0x3F9E]  }
0x1a: {  	s8 =	sadd.s32 $0xFFFFE003, lr  }
0x1b: {  	s9 =	sadd.s32 $0xFFFFFEF7, lr;
	s5 =	simm.s32 $0xFFFFFFFF;
	p2 =	slt.u32 s8, $0xFFFFF086  }
0x1c: {  	p1 =	slt.u32 s9, $0xF7A;
	s5 =	simm.s32 @!p2 $0x0  }
0x1d: {  	s5 =	simm.s32 @p1 $0x1;
	p0 =	seq.s32 s7, s2  }
0x1e: {  	s7 =	smul.u32 @!p0 $0xF7A, s2;
	p2 =	seq.s32 @!p0 s5, $0x0  }
0x1f: {  	s9 =	smul.u32 $0xF7A, s1;
	s8 =	simm.s32 @!p0 $0x1BF5;
	p2 =	por !p2, p0  }
0x20: {  	[sflag:s8] =	ssyncset.s32 @!p0 $0xFFFFF086;
	s6 =	sadd.s32 @!p0 s3, s7;
	s7 =	simm.s32 @!p0 $0x108  }
0x21: {  	s3 =	sadd.s32 s3, s9;
	s6 =	sadd.s32 @!p0 $0x88, s6;
	s7 =	simm.s32 @p2 $0x1082  }
0x22: {  	[simem:s7], [sflag:s8] =	dma.local @!p0 [hbm:s6], $0xF7A  }
0x23: {  	s9 =	sor.u32 $0xD0000000, s2;
	s6 =	simm.s32 $0x108;
	_ =	swait.ge @!p0 [sflag:s8], $0x0  }
0x24: {  	s3 =	sadd.s32 $0x88, s3;
	s6 =	simm.s32 @!p1 $0x1082;
	[sflag:s4] =	ssyncset.s32 $0xFFFFF086  }
0x25: {  	[simem:s6], [sflag:s4] =	dma.local [hbm:s3], $0xF7A  }
0x26: {  	[smem:$0x3F9E] =	sst s1;
	(tag) =	ssettag s2;
	_ =	strace s9  }
0x27: {  	s1 =	sld [smem:$0x3FAE]  }
0x28: {  	s2 =	sld [smem:$0x3FAF]  }
0x29: {  	s4 =	sld [smem:$0x3FB1]  }
0x2a: {  	p0 =	seq.s32 s5, $0x0;
	s5 =	sld [smem:$0x3FB2]  }
0x2b: {  	s6 =	sld [smem:$0x3FB3]  }
0x2c: {  	s7 =	sld [smem:$0x3FB4]  }
0x2d: {  	s3 =	simm.s32 $0x108;
	s8 =	sld [smem:$0x3FB5]  }
0x2e: {  	s3 =	simm.s32 @!p0 $0x1082;
	s9 =	sld [smem:$0x3FB6]  }
0x2f: {  	lr =	sadd.s32 s0, s3;
	s0 =	sld [smem:$0x3FAD]  }
0x30: {  	s3 =	sld [smem:$0x3FB0]  }
0x31: {  	[smem:$0x3FB9] =	sst s10  }
0x32: {  	s10 =	sld [smem:$0x3FB7];
	_ =	sdelay $0x3  }
0x33: {  	p0 =	seq.s32 s10, $0x1;
	s10 =	sld [smem:$0x3FB9];
	_ =	sdelay $0x3  }
0x34: {  	[smem:$0x3FB9] =	sst s10  }
0x35: {  	s10 =	sld [smem:$0x3FB8];
	_ =	sdelay $0x3  }
0x36: {  	p1 =	seq.s32 s10, $0x1;
	s10 =	sld [smem:$0x3FB9];
	_ =	sdelay $0x3  }
0x37: {  	[smem:$0x3FB9] =	sst s10  }
0x38: {  	s10 =	sld [smem:$0x3FBA]  }
0x39: {  	_ = 	snop;
	(pc) =	sbr.ind lr, $3  }
0x3a: {  	_ = 	snop  }
0x3b: {  	_ = 	snop  }
0x3c: {  	p2 =	seq.s32 s10, $0x1;
	s10 =	sld [smem:$0x3FB9]  }
0x3d: {  	_ =	shalt  }
0x3e: {  	_ =	shalt  }
0x3f: {  	_ =	shalt  }
0x40: {  	_ =	shalt  }
0x41: {  	_ =	shalt  }
0x42: {  	_ =	shalt  }
0x43: {  	_ =	shalt  }
0x44: {  	_ =	shalt  }
0x45: {  	_ =	shalt  }
0x46: {  	_ =	shalt  }
0x47: {  	_ =	shalt  }
0x48: {  	_ =	shalt  }
0x49: {  	_ =	shalt  }
0x4a: {  	_ =	shalt  }
0x4b: {  	_ =	shalt  }
0x4c: {  	_ =	shalt  }
0x4d: {  	_ =	shalt  }
0x4e: {  	_ =	shalt  }
0x4f: {  	_ =	shalt  }
0x50: {  	_ =	shalt  }
0x51: {  	_ =	shalt  }
0x52: {  	_ =	shalt  }
0x53: {  	_ =	shalt  }
0x54: {  	_ =	shalt  }
0x55: {  	_ =	shalt  }
0x56: {  	_ =	shalt  }
0x57: {  	_ =	shalt  }
0x58: {  	_ =	shalt  }
0x59: {  	_ =	shalt  }
0x5a: {  	_ =	shalt  }
0x5b: {  	_ =	shalt  }
0x5c: {  	_ =	shalt  }
0x5d: {  	_ =	shalt  }
0x5e: {  	_ =	shalt  }
0x5f: {  	_ =	shalt  }
0x60: {  	_ =	shalt  }
0x61: {  	_ =	shalt  }
0x62: {  	_ =	shalt  }
0x63: {  	_ =	shalt  }
0x64: {  	_ =	shalt  }
0x65: {  	_ =	shalt  }
0x66: {  	_ =	shalt  }
0x67: {  	_ =	shalt  }
0x68: {  	_ =	shalt  }
0x69: {  	_ =	shalt  }
0x6a: {  	_ =	shalt  }
0x6b: {  	_ =	shalt  }
0x6c: {  	_ =	shalt  }
0x6d: {  	_ =	shalt  }
0x6e: {  	_ =	shalt  }
0x6f: {  	_ =	shalt  }
0x70: {  	_ =	shalt  }
0x71: {  	_ =	shalt  }
0x72: {  	_ =	shalt  }
0x73: {  	_ =	shalt  }
0x74: {  	_ =	shalt  }
0x75: {  	_ =	shalt  }
0x76: {  	_ =	shalt  }
0x77: {  	_ =	shalt  }
0x78: {  	_ =	shalt  }
0x79: {  	_ =	shalt  }
0x7a: {  	_ =	shalt  }
0x7b: {  	_ =	shalt  }
0x7c: {  	_ =	shalt  }
0x7d: {  	_ =	shalt  }
0x7e: {  	_ =	shalt  }
0x7f: {  	_ =	shalt  }
0x80: {  	_ =	shalt  }
0x81: {  	_ =	shalt  }
0x82: {  	_ =	shalt  }
0x83: {  	_ =	shalt  }
0x84: {  	_ =	shalt  }
0x85: {  	_ =	shalt  }
0x86: {  	_ =	shalt  }
0x87: {  	_ =	shalt  }
.Lfunc_end0:
.L_simem_size_0:
called_computation_lowered:
.L_overlay_start_0:
0x88: {  	s2 =	sld [smem:$0x3FD9]  }
0x89: {  	s3 =	sld [smem:$0x3FFE];
	_ =	sdelay $0x1  }
0x8a: {  	s1 =	srdreg.scid  }
0x8b: {  	s0 =	sand.u32 $0x1, s1  }
0x8c: {  	s17 =	sshll.u32 s0, $0xA;
	s2 =	sadd.s32 s3, s2  }
0x8d: {  	s2 =	sadd.s32 s2, s17  }
0x8e: {  	[smem:$0x3FC5] =	sst s2  }
0x8f: {  	_ = 	snop  }
0x90: {  	s2 =	sld [smem:$0x3FC9]  }
0x91: {  	s18 =	sld [smem:$0x3FD0];
	(tm) =	ssettm $0x1  }
0x92: {  	s4 =	sld [smem:$0x3FFB];
	_ =	sdelay $0x3  }
0x93: {  	_ =	strace s4  }
0x94: {  	s4 =	sld [smem:$0x3FFC];
	_ =	sdelay $0x3  }
0x95: {  	_ =	strace s4  }
0x96: {  	s4 =	sld [smem:$0x3FFD];
	_ =	sdelay $0x3  }
0x97: {  	_ =	strace s4  }
0x98: {  	_ =	strace $0x8FFFFFFF  }
0x99: {  	s19 =	sld [smem:$0x3FDB];
	_ =	sdelay $0x1  }
0x9a: {  	s5 =	simm.s32 $_scs_section_size  }
0x9b: {  	s6 =	simm.s32 $_size__tile_overlayer_lowered;
	s7 =	simm.s32 $_tile_overlayer_lowered  }
0x9c: {  	s22 =	simm.s32 $0x1BFF;
	s21 =	sshll.u32 s7, $0x1;
	s4 =	sadd.s32 s5, s19  }
0x9d: {  	s8 =	simm.s32 $0x0;
	s20 =	sshll.u32 s6, $0x1;
	s6 =	sadd.s32 s21, s4  }
0x9e: {  	[timem:s8], [sflag:s22] =	dma.local [hbm:s6], s20  }
0x9f: {  	_ =	swait.ge [sflag:s22], s20  }
0xa0: {  	s5 =	ssub.s32 $0x0, s20;
	[sflag:s22] =	ssyncset.done $0x0  }
0xa1: {  	[sflag:s22] =	ssyncadd.s32 s5;
	_ =	sdelay $0x1  }
0xa2: {  	s23 =	simm.s32 $0x1B8B  }
0xa3: {  	_ =	swait.ge [sflag:s23], $0x1  }
0xa4: {  	[sflag:s23] =	ssyncset.done $0x0  }
0xa5: {  	s25 =	simm.s32 $0x1B8E;
	s24 =	sld [smem:$0x3FFE];
	[sflag:s23] =	ssyncadd.s32 $0xFFFFFFFF  }
0xa6: {  	s26 =	simm.s32 $execute0_lowered;
	[smem:$0x3FD2] =	sst s25  }
0xa7: {  	s6 =	sshll.u32 s26, $0x1;
	_ =	strace $0x80000046;
	[dreg:$0x1] =	wrdreg $0xFFFFFFFF  }
0xa8: {  	s28 =	simm.s32 $_size_execute0_lowered;
	s4 =	sadd.s32 s4, s6;
	[dreg:$0x0] =	wrdreg $0x0  }
0xa9: {  	s6 =	sshll.u32 s28, $0x1;
	[dreg:$0x2] =	wrdreg s4  }
0xaa: {  	[dreg:$0x3] =	wrdreg s6  }
0xab: {  	[dreg:$0x4] =	wrdreg $0xC0  }
0xac: {  	_ =	task [dreg:s8], $0x5FFFF  }
0xad: {  	[dreg:$0x1] =	wrdreg $0xFFFFFFFF  }
0xae: {  	[dreg:$0x0] =	wrdreg $0x60  }
0xaf: {  	[dreg:$0x2] =	wrdreg s2  }
0xb0: {  	[dreg:$0x3] =	wrdreg s24  }
0xb1: {  	[dreg:$0x4] =	wrdreg s18  }
0xb2: {  	[dreg:$0x5] =	wrdreg $0x0  }
0xb3: {  	[dreg:$0x6] =	wrdreg $0x9  }
0xb4: {  	_ =	task.clear_ibuf [dreg:s8], $0x7FFFF;
	_ =	strace $0x90000046  }
0xb5: {  	s29 =	simm.s32 $0x9;
	_ =	strace $0x80000048  }
0xb6: {  	_ =	swait.ge [sflag:s29], $0x1  }
0xb7: {  	[sflag:s29] =	ssyncadd.s32 $0xFFFFFFFF  }
0xb8: {  	_ =	strace $0x90000048  }
0xb9: {  	_ =	sfence  }
0xba: {  	s30 =	sld [smem:$0x0];
	_ =	sdelay $0x2  }
0xbb: {  	s31 =	sshll.u32 s1, $0xD;
	s1 =	sshrl.u32 s1, $0x2  }
0xbc: {  	s3 =	sand.u32 $0x4000, s31;
	s1 =	sadd.s32 s1, s30  }
0xbd: {  	s0 =	sor.u32 s3, s0;
	s1 =	sshll.u32 s1, $0x11  }
0xbe: {  	s0 =	sor.u32 s1, s0  }
0xbf: {  	s0 =	sadd.s32 $0x8F2B, s0  }
0xc0: {  	[sflag:s0] =	ssyncadd.remote.s32 $0x1  }
0xc1: {  	_ =	sfence.sel $0xFFFF  }
0xc2: {  	[dreg:$0x0] =	wrdreg $0xFFFFFFFF;
	(pc) =	sbr.abs _section_cstart, $3  }
0xc3: {  	[dreg:$0x1] =	wrdreg $0xFFFFFFFF  }
0xc4: {  	_ =	task.clear_ibuf [dreg:s8], $0x2FFFF;
	_ =	strace $0x9FFFFFFF  }
0xc5: {  	(tm) =	ssettm $0x7FFFFFFF  }
tec
execute0_lowered:
.L_overlay_start_1:
0x0: {  	(tag) =	ssettag $0x1  }
0x1: {  	s0 =	rddreg [dreg:$0x0]  }
0x2: {  	s1 =	rddreg [dreg:$0x1]  }
0x3: {  	s2 =	rddreg [dreg:$0x2]  }
0x4: {  	s3 =	srdreg.scid;
	s9 =	stileid.u32  }
0x5: {  	s31 =	rddreg [dreg:$0x3];
	s6 =	smul.u32 $0x2800, s9  }
0x6: {  	s4 =	simm.s32 $0x0;
	s29 =	simm.s32 $0x1B000;
	s7 =	smul.u32 $0x50000, s9  }
0x7: {  	s28 =	simm.s32 $0x1BB00;
	s30 =	simm.s32 $0x0;
	s13 =	smul.u32 $0x280, s9  }
0x8: {  	s3 =	sand.u32 $0x1, s3;
	[smem:$0x7FF] =	sst s4;
	s18 =	smul.u32 $0x28000, s9  }
0x9: {  	p0 =	seq.s32 s9, $0xF;
	s9 =	simm.s32 $0x1B700;
	s5 =	smul.u32 $0x28000, s3  }
0xa: {  	s25 =	ssub.s32 $0x2, s3;
	_ =	strace $0x80000047;
	s10 =	sshrl.u32 s7, $0x2  }
0xb: {  	s3 =	smul.u32 $0x271000, s3;
	s8 =	sshrl.u32 s25, $0x1;
	s12 =	sadd.s32 s10, s31  }
0xc: {  	s5 =	sadd.s32 s6, s5;
	s6 =	sadd.s32 $0x2000, s12;
	[dreg:$0x7] =	wrdreg s12  }
0xd: {  	s7 =	simm.s32 $0x1;
	s14 =	sadd.s32 $0x4000, s12;
	[dreg:$0x8] =	wrdreg s6  }
0xe: {  	s26 =	ssub.s32 s25, s8;
	s15 =	sadd.s32 $0x6000, s12;
	[dreg:$0x9] =	wrdreg s14  }
0xf: {  	s25 =	sadd.s32 $0x80, s2;
	s16 =	sadd.s32 $0x8000, s12;
	[dreg:$0xa] =	wrdreg s15  }
0x10: {  	s8 =	simm.s32 $0x1B680;
	s17 =	sadd.s32 $0xA000, s12;
	[dreg:$0xb] =	wrdreg s16  }
0x11: {  	s5 =	sshrl.u32 s5, $0x3;
	s19 =	sadd.s32 $0xC000, s12;
	[dreg:$0xc] =	wrdreg s17  }
0x12: {  	s20 =	sadd.s32 $0xE000, s12;
	s10 =	sadd.s32 $0x10000, s12;
	[dreg:$0xd] =	wrdreg s19  }
0x13: {  	s22 =	sadd.s32 $0x12000, s12;
	s26 =	smax.u32 s26, $0x1;
	[dreg:$0xe] =	wrdreg s20  }
0x14: {  	s12 =	simm.s32 $0x1B880;
	s1 =	sadd.s32 s5, s1;
	[dreg:$0xf] =	wrdreg s10  }
0x15: {  	s6 =	sadd.s32 s18, s3;
	[dreg:$0x10] =	wrdreg s22;
	s20 =	sadd.s32 $0x80, s0  }
0x16: {  	[dreg:$0x16] =	wrdreg s26;
	s26 =	simm.s32 $0x1B180;
	s5 =	simm.s32 $0x1B280  }
0x17: {  	s17 =	simm.s32 $0x1B380;
	s18 =	simm.s32 $0x1B400;
	s19 =	simm.s32 $0x1B480  }
0x18: {  	s22 =	simm.s32 $0x1B580;
	s10 =	simm.s32 $0x1B780;
	s14 =	simm.s32 $0x1B980  }
0x19: {  	s15 =	simm.s32 $0x1BA00;
	s16 =	simm.s32 $0x1BA80;
	s11 =	sadd.s32 $0xC00, s1  }
0x1a: {  	s1 =	sadd.s32 $0xAC00, s1;
	s6 =	sshrl.u32 s6, $0x3;
	[dreg:$0x5] =	wrdreg s11  }
0x1b: {  	[dreg:$0x6] =	wrdreg s1;
	s1 =	sadd.s32 $0x190, s13;
	s23 =	sadd.s32 s2, s6  }
0x1c: {  	v0 =	vimm.f32 $0.0e+00;
	v1 =	vimm.s32 $0x7;
	s11 =	simm.s32 $0x1B800;
	s13 =	simm.s32 $0x1B900;
	s21 =	sshll.u32 s1, $0x8  }
0x1d: {  	v2 =	vimm.s32 $0x1;
	v3 =	vimm.s32 $0x0;
	v4 =	vlaneseq.u32;
	[dreg:$0x11] =	wrdreg s23;
	s1 =	sshll.u32 s1, $0x7;
	s3 =	sadd.s32 s3, s21  }
0x1e: {  	vm0 =	vmmov $0x1;
	v5 =	vimm.s32 $0x2;
	v6 =	vimm.s32 $0x3;
	s23 =	simm.s32 $0x1B600;
	s1 =	sadd.s32 s1, s31;
	s3 =	sshrl.u32 s3, $0x3  }
0x1f: {  	v7 =	vimm.s32 $0x4;
	v8 =	vimm.s32 $0x5;
	v9 =	vimm.s32 $0x6;
	s21 =	simm.s32 $0x1B500;
	[dreg:$0x13] =	wrdreg s1;
	s24 =	sadd.s32 s2, s3  }
0x20: {  	v10 =	vimm.s32 $0x8;
	v11 =	vimm.s32 $0x9;
	v12 =	vimm.s32 $0xA;
	s2 =	sadd.s32 s6, s25;
	s1 =	sadd.s32 s3, s25;
	[dreg:$0x12] =	wrdreg s24  }
0x21: {  	v13 =	vimm.s32 $0xB;
	v14 =	vimm.s32 $0xC;
	v15 =	vimm.s32 $0xD;
	s25 =	simm.s32 $0x2;
	s6 =	simm.s32 $0x1B300;
	[dreg:$0x14] =	wrdreg s2  }
0x22: {  	v16 =	vimm.s32 $0xE;
	v17 =	vimm.s32 $0xF;
	v4 =	vmul.u32 $0x8, v4;
	[dreg:$0x15] =	wrdreg s1;
	s24 =	simm.s32 $0x14000;
	s2 =	simm.s32 $0x1B200  }
.LBB2_1:
0x23: {  	[dreg:$0x17] =	wrdreg s30  }
0x24: {  	s3 =	rddreg [dreg:$0x5];
	s1 =	simm.s32 $0x16000  }
0x25: {  	[tilespmem:s1], [sflag:$0x2] =	stream.linear.gather [hbm4b:s3+s4], $0x2780, $0x38;
	[tilespmem:$0x1F000] =	vst v63  }
0x26: {  	_ =	swait.ge [sflag:s25], $0x2780  }
0x27: {  	[sflag:s25] =	ssyncset.done $0x0  }
0x28: {  	s1 =	simm.s32 $0x18800;
	s3 =	rddreg [dreg:$0x6];
	[sflag:s25] =	ssyncadd.s32 $0xFFFFD880  }
0x29: {  	[tilespmem:s1], [sflag:$0x2] =	stream.linear.gather [hbm4b:s3+s4], $0x2780, $0x38;
	[tilespmem:$0x1F000] =	vst v63  }
0x2a: {  	_ =	swait.ge [sflag:s25], $0x2780  }
0x2b: {  	[sflag:s25] =	ssyncset.done $0x0  }
0x2c: {  	s30 =	simm.s32 $0x200;
	s3 =	simm.s32 $0x0;
	[sflag:s25] =	ssyncadd.s32 $0xFFFFD880  }
.LBB2_2:
0x2d: {  	p1 =	sne.s32 s30, $0x7E00;
	[tilespmem:s3+$0x14070] =	vst v0  }
0x2e: {  	[tilespmem:s3+$0x14000] =	vst v0  }
0x2f: {  	[tilespmem:s3+$0x14010] =	vst v0  }
.Ltmp0:
0x30: {  	[tilespmem:s3+$0x14020] =	vst v0;
	(pc) =	sbr.rel @p1 .LBB2_2-.Ltmp0, $4  }
0x31: {  	[tilespmem:s3+$0x14030] =	vst v0  }
0x32: {  	[tilespmem:s3+$0x14040] =	vst v0  }
0x33: {  	[tilespmem:s3+$0x14050] =	vst v0  }
0x34: {  	[tilespmem:s3+$0x14060] =	vst v0;
	s3 =	sshra.s32 s30, $0x2;
	s30 =	sadd.s32 $0x200, s30  }
0x35: {  	[tilespmem:s3+$0x14070] =	vst v0  }
0x36: {  	[tilespmem:s3+$0x14000] =	vst v0  }
0x37: {  	[tilespmem:s3+$0x14010] =	vst v0  }
0x38: {  	[tilespmem:s3+$0x14020] =	vst v0  }
0x39: {  	[tilespmem:s3+$0x14030] =	vst v0  }
0x3a: {  	[tilespmem:s3+$0x14040] =	vst v0  }
0x3b: {  	[tilespmem:s3+$0x14050] =	vst v0  }
0x3c: {  	[tilespmem:s3+$0x14060] =	vst v0;
	s1 =	rddreg [dreg:$0x7]  }
0x3d: {  	[spmem:s1] =	stream.linear.scatter [tilespmem:s24], [sflag:$0x2], $0x2000, $0x38;
	[tilespmem:$0x1F000] =	vst v63  }
0x3e: {  	_ =	swait.ge [sflag:s25], $0x2000  }
0x3f: {  	[sflag:s25] =	ssyncset.done $0x0  }
0x40: {  	s1 =	rddreg [dreg:$0x8];
	[sflag:s25] =	ssyncadd.s32 $0xFFFFE000  }
0x41: {  	[spmem:s1] =	stream.linear.scatter [tilespmem:s24], [sflag:$0x2], $0x2000, $0x38;
	[tilespmem:$0x1F000] =	vst v63  }
0x42: {  	_ =	swait.ge [sflag:s25], $0x2000  }
0x43: {  	[sflag:s25] =	ssyncset.done $0x0  }
0x44: {  	s3 =	rddreg [dreg:$0x9];
	[sflag:s25] =	ssyncadd.s32 $0xFFFFE000  }
0x45: {  	[spmem:s3] =	stream.linear.scatter [tilespmem:s24], [sflag:$0x2], $0x2000, $0x38;
	[tilespmem:$0x1F000] =	vst v63  }
0x46: {  	_ =	swait.ge [sflag:s25], $0x2000  }
0x47: {  	[sflag:s25] =	ssyncset.done $0x0  }
0x48: {  	s30 =	rddreg [dreg:$0xa];
	[sflag:s25] =	ssyncadd.s32 $0xFFFFE000  }
0x49: {  	[spmem:s30] =	stream.linear.scatter [tilespmem:s24], [sflag:$0x2], $0x2000, $0x38;
	[tilespmem:$0x1F000] =	vst v63  }
0x4a: {  	_ =	swait.ge [sflag:s25], $0x2000  }
0x4b: {  	[sflag:s25] =	ssyncset.done $0x0  }
0x4c: {  	s3 =	rddreg [dreg:$0xb];
	[sflag:s25] =	ssyncadd.s32 $0xFFFFE000  }
0x4d: {  	[spmem:s3] =	stream.linear.scatter [tilespmem:s24], [sflag:$0x2], $0x2000, $0x38;
	[tilespmem:$0x1F000] =	vst v63  }
0x4e: {  	_ =	swait.ge [sflag:s25], $0x2000  }
0x4f: {  	[sflag:s25] =	ssyncset.done $0x0  }
0x50: {  	s30 =	rddreg [dreg:$0xc];
	[sflag:s25] =	ssyncadd.s32 $0xFFFFE000  }
0x51: {  	[spmem:s30] =	stream.linear.scatter [tilespmem:s24], [sflag:$0x2], $0x2000, $0x38;
	[tilespmem:$0x1F000] =	vst v63  }
0x52: {  	_ =	swait.ge [sflag:s25], $0x2000  }
0x53: {  	[sflag:s25] =	ssyncset.done $0x0  }
0x54: {  	s3 =	rddreg [dreg:$0xd];
	[sflag:s25] =	ssyncadd.s32 $0xFFFFE000  }
0x55: {  	[spmem:s3] =	stream.linear.scatter [tilespmem:s24], [sflag:$0x2], $0x2000, $0x38;
	[tilespmem:$0x1F000] =	vst v63  }
0x56: {  	_ =	swait.ge [sflag:s25], $0x2000  }
0x57: {  	[sflag:s25] =	ssyncset.done $0x0  }
0x58: {  	s30 =	rddreg [dreg:$0xe];
	[sflag:s25] =	ssyncadd.s32 $0xFFFFE000  }
0x59: {  	[spmem:s30] =	stream.linear.scatter [tilespmem:s24], [sflag:$0x2], $0x2000, $0x38;
	[tilespmem:$0x1F000] =	vst v63  }
0x5a: {  	_ =	swait.ge [sflag:s25], $0x2000  }
0x5b: {  	[sflag:s25] =	ssyncset.done $0x0  }
0x5c: {  	s3 =	rddreg [dreg:$0xf];
	[sflag:s25] =	ssyncadd.s32 $0xFFFFE000  }
0x5d: {  	[spmem:s3] =	stream.linear.scatter [tilespmem:s24], [sflag:$0x2], $0x2000, $0x38;
	[tilespmem:$0x1F000] =	vst v63  }
0x5e: {  	_ =	swait.ge [sflag:s25], $0x2000  }
0x5f: {  	[sflag:s25] =	ssyncset.done $0x0  }
0x60: {  	s30 =	rddreg [dreg:$0x10];
	[sflag:s25] =	ssyncadd.s32 $0xFFFFE000  }
0x61: {  	[spmem:s30] =	stream.linear.scatter [tilespmem:s24], [sflag:$0x2], $0x2000, $0x38;
	[tilespmem:$0x1F000] =	vst v63  }
0x62: {  	_ =	swait.ge [sflag:s25], $0x2000  }
0x63: {  	[sflag:s25] =	ssyncset.done $0x0  }
0x64: {  	[sflag:s25] =	ssyncadd.s32 $0xFFFFE000  }
0x65: {  	s3 =	simm.s32 $0x0;
	s24 =	simm.s32 $0x1B100;
	[bflag:$0x0] =	sbarrier.arrive $0xFFFF  }
.LBB2_4:
0x66: {  	s30 =	sshra.s32 s3, $0x2  }
0x67: {  	v18 =	vld [tilespmem:s30+$0x16000];
	_ =	sdelay $0x4  }
0x68: {  	v19 =	vshll.u32 v18, $0x1  }
0x69: {  	v18 =	vand.u32 $0x7, v18;
	v19 =	vand.u32 $0xFFFFFFF0, v19  }
0x6a: {  	v18 =	vor.u32 v18, v19  }
0x6b: {  	v19 =	vperm.xlane v18, v3;
	_ =	sdelay $0x1  }
0x6c: {  	v20 =	vperm.xlane v18, v2;
	v19 =	vadd.s32 v4, v19;
	_ =	sdelay $0x1  }
0x6d: {  	v21 =	vperm.xlane v18, v5;
	v20 =	vadd.s32 v4, v20;
	_ =	sdelay $0x1  }
0x6e: {  	v22 =	vperm.xlane v18, v6;
	v21 =	vadd.s32 v4, v21  }
0x6f: {  	[tilespmem:s29], [sflag:$0x1] =	stream.indirect_vreg.gather [hbm4b:s0+s4], $0x80, v19, vm0, $0xb8;
	[tilespmem:$0x1F000] =	vst v63  }
0x70: {  	s1 =	simm.s32 $0x1B080;
	v51 =	vperm.xlane v18, v7;
	v19 =	vadd.s32 v4, v22  }
0x71: {  	[tilespmem:s1], [sflag:$0x1] =	stream.indirect_vreg.gather [hbm4b:s0+s4], $0x80, v20, vm0, $0xb8;
	[tilespmem:$0x1F000] =	vst v63  }
0x72: {  	v53 =	vperm.xlane v18, v8;
	v52 =	vadd.s32 v4, v51  }
0x73: {  	[tilespmem:s24], [sflag:$0x1] =	stream.indirect_vreg.gather [hbm4b:s0+s4], $0x80, v21, vm0, $0xb8;
	[tilespmem:$0x1F000] =	vst v63  }
0x74: {  	v55 =	vperm.xlane v18, v9;
	v54 =	vadd.s32 v4, v53  }
0x75: {  	[tilespmem:s26], [sflag:$0x1] =	stream.indirect_vreg.gather [hbm4b:s0+s4], $0x80, v19, vm0, $0xb8;
	[tilespmem:$0x1F000] =	vst v63  }
0x76: {  	v56 =	vperm.xlane v18, v1;
	v19 =	vadd.s32 v4, v55  }
0x77: {  	[tilespmem:s2], [sflag:$0x1] =	stream.indirect_vreg.gather [hbm4b:s0+s4], $0x80, v52, vm0, $0xb8;
	[tilespmem:$0x1F000] =	vst v63  }
0x78: {  	v58 =	vperm.xlane v18, v10;
	v57 =	vadd.s32 v4, v56  }
0x79: {  	[tilespmem:s5], [sflag:$0x1] =	stream.indirect_vreg.gather [hbm4b:s0+s4], $0x80, v54, vm0, $0xb8;
	[tilespmem:$0x1F000] =	vst v63  }
0x7a: {  	v60 =	vperm.xlane v18, v11;
	v59 =	vadd.s32 v4, v58  }
0x7b: {  	[tilespmem:s6], [sflag:$0x1] =	stream.indirect_vreg.gather [hbm4b:s0+s4], $0x80, v19, vm0, $0xb8;
	[tilespmem:$0x1F000] =	vst v63  }
0x7c: {  	v61 =	vperm.xlane v18, v12;
	v19 =	vadd.s32 v4, v60  }
0x7d: {  	[tilespmem:s17], [sflag:$0x1] =	stream.indirect_vreg.gather [hbm4b:s0+s4], $0x80, v57, vm0, $0xb8;
	[tilespmem:$0x1F000] =	vst v63  }
0x7e: {  	v63 =	vperm.xlane v18, v13;
	v62 =	vadd.s32 v4, v61  }
0x7f: {  	[tilespmem:s18], [sflag:$0x1] =	stream.indirect_vreg.gather [hbm4b:s0+s4], $0x80, v59, vm0, $0xb8;
	[tilespmem:$0x1F000] =	vst v63  }
0x80: {  	v25 =	vperm.xlane v18, v14;
	v24 =	vadd.s32 v4, v63  }
0x81: {  	[tilespmem:s19], [sflag:$0x1] =	stream.indirect_vreg.gather [hbm4b:s0+s4], $0x80, v19, vm0, $0xb8;
	[tilespmem:$0x1F000] =	vst v63  }
0x82: {  	v26 =	vperm.xlane v18, v15;
	v19 =	vadd.s32 v4, v25  }
0x83: {  	[tilespmem:s21], [sflag:$0x1] =	stream.indirect_vreg.gather [hbm4b:s0+s4], $0x80, v62, vm0, $0xb8;
	[tilespmem:$0x1F000] =	vst v63  }
0x84: {  	v28 =	vperm.xlane v18, v16;
	v27 =	vadd.s32 v4, v26  }
0x85: {  	[tilespmem:s22], [sflag:$0x1] =	stream.indirect_vreg.gather [hbm4b:s0+s4], $0x80, v24, vm0, $0xb8;
	[tilespmem:$0x1F000] =	vst v63  }
0x86: {  	v18 =	vperm.xlane v18, v17;
	v29 =	vadd.s32 v4, v28  }
0x87: {  	[tilespmem:s23], [sflag:$0x1] =	stream.indirect_vreg.gather [hbm4b:s0+s4], $0x80, v19, vm0, $0xb8;
	[tilespmem:$0x1F000] =	vst v63  }
0x88: {  	v18 =	vadd.s32 v4, v18  }
0x89: {  	[tilespmem:s8], [sflag:$0x1] =	stream.indirect_vreg.gather [hbm4b:s0+s4], $0x80, v27, vm0, $0xb8;
	[tilespmem:$0x1F000] =	vst v63  }
0x8a: {  	_ = 	snop  }
0x8b: {  	[tilespmem:s9], [sflag:$0x1] =	stream.indirect_vreg.gather [hbm4b:s0+s4], $0x80, v29, vm0, $0xb8;
	[tilespmem:$0x1F000] =	vst v63  }
0x8c: {  	_ = 	snop  }
0x8d: {  	[tilespmem:s10], [sflag:$0x1] =	stream.indirect_vreg.gather [hbm4b:s0+s4], $0x80, v18, vm0, $0xb8;
	[tilespmem:$0x1F000] =	vst v63  }
0x8e: {  	v18 =	vld [tilespmem:s30+$0x16010];
	_ =	sdelay $0x4  }
0x8f: {  	v19 =	vshll.u32 v18, $0x1  }
0x90: {  	v18 =	vand.u32 $0x7, v18;
	v19 =	vand.u32 $0xFFFFFFF0, v19  }
0x91: {  	v18 =	vor.u32 v18, v19  }
0x92: {  	v19 =	vperm.xlane v18, v3;
	_ =	sdelay $0x1  }
0x93: {  	v30 =	vperm.xlane v18, v2;
	v19 =	vadd.s32 v4, v19;
	_ =	sdelay $0x1  }
0x94: {  	v31 =	vperm.xlane v18, v5;
	v20 =	vadd.s32 v4, v30;
	_ =	sdelay $0x1  }
0x95: {  	v32 =	vperm.xlane v18, v6;
	v21 =	vadd.s32 v4, v31  }
0x96: {  	[tilespmem:s11], [sflag:$0x1] =	stream.indirect_vreg.gather [hbm4b:s0+s4], $0x80, v19, vm0, $0xb8;
	[tilespmem:$0x1F000] =	vst v63  }
0x97: {  	v33 =	vperm.xlane v18, v7;
	v19 =	vadd.s32 v4, v32  }
0x98: {  	[tilespmem:s12], [sflag:$0x1] =	stream.indirect_vreg.gather [hbm4b:s0+s4], $0x80, v20, vm0, $0xb8;
	[tilespmem:$0x1F000] =	vst v63  }
0x99: {  	v35 =	vperm.xlane v18, v8;
	v34 =	vadd.s32 v4, v33  }
0x9a: {  	[tilespmem:s13], [sflag:$0x1] =	stream.indirect_vreg.gather [hbm4b:s0+s4], $0x80, v21, vm0, $0xb8;
	[tilespmem:$0x1F000] =	vst v63  }
0x9b: {  	v37 =	vperm.xlane v18, v9;
	v36 =	vadd.s32 v4, v35  }
0x9c: {  	[tilespmem:s14], [sflag:$0x1] =	stream.indirect_vreg.gather [hbm4b:s0+s4], $0x80, v19, vm0, $0xb8;
	[tilespmem:$0x1F000] =	vst v63  }
0x9d: {  	v38 =	vperm.xlane v18, v1;
	v19 =	vadd.s32 v4, v37  }
0x9e: {  	[tilespmem:s15], [sflag:$0x1] =	stream.indirect_vreg.gather [hbm4b:s0+s4], $0x80, v34, vm0, $0xb8;
	[tilespmem:$0x1F000] =	vst v63  }
0x9f: {  	v40 =	vperm.xlane v18, v10;
	v39 =	vadd.s32 v4, v38  }
0xa0: {  	[tilespmem:s16], [sflag:$0x1] =	stream.indirect_vreg.gather [hbm4b:s0+s4], $0x80, v36, vm0, $0xb8;
	[tilespmem:$0x1F000] =	vst v63  }
0xa1: {  	v42 =	vperm.xlane v18, v11;
	v41 =	vadd.s32 v4, v40  }
0xa2: {  	[tilespmem:s28], [sflag:$0x1] =	stream.indirect_vreg.gather [hbm4b:s0+s4], $0x80, v19, vm0, $0xb8;
	[tilespmem:$0x1F000] =	vst v63  }
0xa3: {  	s1 =	simm.s32 $0x1BB80;
	v43 =	vperm.xlane v18, v12;
	v19 =	vadd.s32 v4, v42  }
0xa4: {  	[tilespmem:s1], [sflag:$0x1] =	stream.indirect_vreg.gather [hbm4b:s0+s4], $0x80, v39, vm0, $0xb8;
	[tilespmem:$0x1F000] =	vst v63  }
0xa5: {  	v45 =	vperm.xlane v18, v13;
	v44 =	vadd.s32 v4, v43;
	s1 =	simm.s32 $0x1BC00  }
0xa6: {  	[tilespmem:s1], [sflag:$0x1] =	stream.indirect_vreg.gather [hbm4b:s0+s4], $0x80, v41, vm0, $0xb8;
	[tilespmem:$0x1F000] =	vst v63  }
0xa7: {  	v47 =	vperm.xlane v18, v14;
	v46 =	vadd.s32 v4, v45;
	s1 =	simm.s32 $0x1BC80  }
0xa8: {  	[tilespmem:s1], [sflag:$0x1] =	stream.indirect_vreg.gather [hbm4b:s0+s4], $0x80, v19, vm0, $0xb8;
	[tilespmem:$0x1F000] =	vst v63  }
0xa9: {  	v48 =	vperm.xlane v18, v15;
	v19 =	vadd.s32 v4, v47;
	s1 =	simm.s32 $0x1BD00  }
0xaa: {  	[tilespmem:s1], [sflag:$0x1] =	stream.indirect_vreg.gather [hbm4b:s0+s4], $0x80, v44, vm0, $0xb8;
	[tilespmem:$0x1F000] =	vst v63  }
0xab: {  	v50 =	vperm.xlane v18, v16;
	v49 =	vadd.s32 v4, v48;
	s1 =	simm.s32 $0x1BD80  }
0xac: {  	[tilespmem:s1], [sflag:$0x1] =	stream.indirect_vreg.gather [hbm4b:s0+s4], $0x80, v46, vm0, $0xb8;
	[tilespmem:$0x1F000] =	vst v63  }
0xad: {  	v18 =	vperm.xlane v18, v17;
	v51 =	vadd.s32 v4, v50;
	s1 =	simm.s32 $0x1BE00  }
0xae: {  	[tilespmem:s1], [sflag:$0x1] =	stream.indirect_vreg.gather [hbm4b:s0+s4], $0x80, v19, vm0, $0xb8;
	[tilespmem:$0x1F000] =	vst v63  }
0xaf: {  	v18 =	vadd.s32 v4, v18;
	s1 =	simm.s32 $0x1BE80  }
0xb0: {  	[tilespmem:s1], [sflag:$0x1] =	stream.indirect_vreg.gather [hbm4b:s0+s4], $0x80, v49, vm0, $0xb8;
	[tilespmem:$0x1F000] =	vst v63  }
0xb1: {  	s1 =	simm.s32 $0x1BF00  }
0xb2: {  	[tilespmem:s1], [sflag:$0x1] =	stream.indirect_vreg.gather [hbm4b:s0+s4], $0x80, v51, vm0, $0xb8;
	[tilespmem:$0x1F000] =	vst v63  }
0xb3: {  	s1 =	simm.s32 $0x1BF80  }
0xb4: {  	[tilespmem:s1], [sflag:$0x1] =	stream.indirect_vreg.gather [hbm4b:s0+s4], $0x80, v18, vm0, $0xb8;
	[tilespmem:$0x1F000] =	vst v63  }
0xb5: {  	v18 =	vld [tilespmem:s30+$0x16020];
	_ =	sdelay $0x4  }
0xb6: {  	v19 =	vshll.u32 v18, $0x1  }
0xb7: {  	v18 =	vand.u32 $0x7, v18;
	v19 =	vand.u32 $0xFFFFFFF0, v19  }
0xb8: {  	v18 =	vor.u32 v18, v19  }
0xb9: {  	v19 =	vperm.xlane v18, v3;
	_ =	sdelay $0x1  }
0xba: {  	v52 =	vperm.xlane v18, v2;
	v19 =	vadd.s32 v4, v19;
	_ =	sdelay $0x1  }
0xbb: {  	v53 =	vperm.xlane v18, v5;
	v20 =	vadd.s32 v4, v52;
	_ =	sdelay $0x1  }
0xbc: {  	s1 =	simm.s32 $0x1C000;
	v54 =	vperm.xlane v18, v6;
	v21 =	vadd.s32 v4, v53  }
0xbd: {  	[tilespmem:s1], [sflag:$0x1] =	stream.indirect_vreg.gather [hbm4b:s0+s4], $0x80, v19, vm0, $0xb8;
	[tilespmem:$0x1F000] =	vst v63  }
0xbe: {  	v55 =	vperm.xlane v18, v7;
	v19 =	vadd.s32 v4, v54;
	s1 =	simm.s32 $0x1C080  }
0xbf: {  	[tilespmem:s1], [sflag:$0x1] =	stream.indirect_vreg.gather [hbm4b:s0+s4], $0x80, v20, vm0, $0xb8;
	[tilespmem:$0x1F000] =	vst v63  }
0xc0: {  	v57 =	vperm.xlane v18, v8;
	v56 =	vadd.s32 v4, v55;
	s1 =	simm.s32 $0x1C100  }
0xc1: {  	[tilespmem:s1], [sflag:$0x1] =	stream.indirect_vreg.gather [hbm4b:s0+s4], $0x80, v21, vm0, $0xb8;
	[tilespmem:$0x1F000] =	vst v63  }
0xc2: {  	v59 =	vperm.xlane v18, v9;
	v58 =	vadd.s32 v4, v57;
	s1 =	simm.s32 $0x1C180  }
0xc3: {  	[tilespmem:s1], [sflag:$0x1] =	stream.indirect_vreg.gather [hbm4b:s0+s4], $0x80, v19, vm0, $0xb8;
	[tilespmem:$0x1F000] =	vst v63  }
0xc4: {  	v60 =	vperm.xlane v18, v1;
	v19 =	vadd.s32 v4, v59;
	s1 =	simm.s32 $0x1C200  }
0xc5: {  	[tilespmem:s1], [sflag:$0x1] =	stream.indirect_vreg.gather [hbm4b:s0+s4], $0x80, v56, vm0, $0xb8;
	[tilespmem:$0x1F000] =	vst v63  }
0xc6: {  	v62 =	vperm.xlane v18, v10;
	v61 =	vadd.s32 v4, v60;
	s1 =	simm.s32 $0x1C280  }
0xc7: {  	[tilespmem:s1], [sflag:$0x1] =	stream.indirect_vreg.gather [hbm4b:s0+s4], $0x80, v58, vm0, $0xb8;
	[tilespmem:$0x1F000] =	vst v63  }
0xc8: {  	v24 =	vperm.xlane v18, v11;
	v63 =	vadd.s32 v4, v62;
	s1 =	simm.s32 $0x1C300  }
0xc9: {  	[tilespmem:s1], [sflag:$0x1] =	stream.indirect_vreg.gather [hbm4b:s0+s4], $0x80, v19, vm0, $0xb8;
	[tilespmem:$0x1F000] =	vst v63  }
0xca: {  	v25 =	vperm.xlane v18, v12;
	v19 =	vadd.s32 v4, v24;
	s1 =	simm.s32 $0x1C380  }
0xcb: {  	[tilespmem:s1], [sflag:$0x1] =	stream.indirect_vreg.gather [hbm4b:s0+s4], $0x80, v61, vm0, $0xb8;
	[tilespmem:$0x1F000] =	vst v63  }
0xcc: {  	v27 =	vperm.xlane v18, v13;
	v26 =	vadd.s32 v4, v25;
	s1 =	simm.s32 $0x1C400  }
0xcd: {  	[tilespmem:s1], [sflag:$0x1] =	stream.indirect_vreg.gather [hbm4b:s0+s4], $0x80, v63, vm0, $0xb8;
	[tilespmem:$0x1F000] =	vst v63  }
0xce: {  	v29 =	vperm.xlane v18, v14;
	v28 =	vadd.s32 v4, v27;
	s1 =	simm.s32 $0x1C480  }
0xcf: {  	[tilespmem:s1], [sflag:$0x1] =	stream.indirect_vreg.gather [hbm4b:s0+s4], $0x80, v19, vm0, $0xb8;
	[tilespmem:$0x1F000] =	vst v63  }
0xd0: {  	v30 =	vperm.xlane v18, v15;
	v19 =	vadd.s32 v4, v29;
	s1 =	simm.s32 $0x1C500  }
0xd1: {  	[tilespmem:s1], [sflag:$0x1] =	stream.indirect_vreg.gather [hbm4b:s0+s4], $0x80, v26, vm0, $0xb8;
	[tilespmem:$0x1F000] =	vst v63  }
0xd2: {  	v32 =	vperm.xlane v18, v16;
	v31 =	vadd.s32 v4, v30;
	s1 =	simm.s32 $0x1C580  }
0xd3: {  	[tilespmem:s1], [sflag:$0x1] =	stream.indirect_vreg.gather [hbm4b:s0+s4], $0x80, v28, vm0, $0xb8;
	[tilespmem:$0x1F000] =	vst v63  }
0xd4: {  	v18 =	vperm.xlane v18, v17;
	v33 =	vadd.s32 v4, v32;
	s1 =	simm.s32 $0x1C600  }
0xd5: {  	[tilespmem:s1], [sflag:$0x1] =	stream.indirect_vreg.gather [hbm4b:s0+s4], $0x80, v19, vm0, $0xb8;
	[tilespmem:$0x1F000] =	vst v63  }
0xd6: {  	v18 =	vadd.s32 v4, v18;
	s1 =	simm.s32 $0x1C680  }
0xd7: {  	[tilespmem:s1], [sflag:$0x1] =	stream.indirect_vreg.gather [hbm4b:s0+s4], $0x80, v31, vm0, $0xb8;
	[tilespmem:$0x1F000] =	vst v63  }
0xd8: {  	s1 =	simm.s32 $0x1C700  }
0xd9: {  	[tilespmem:s1], [sflag:$0x1] =	stream.indirect_vreg.gather [hbm4b:s0+s4], $0x80, v33, vm0, $0xb8;
	[tilespmem:$0x1F000] =	vst v63  }
0xda: {  	s1 =	simm.s32 $0x1C780  }
0xdb: {  	[tilespmem:s1], [sflag:$0x1] =	stream.indirect_vreg.gather [hbm4b:s0+s4], $0x80, v18, vm0, $0xb8;
	[tilespmem:$0x1F000] =	vst v63  }
0xdc: {  	v18 =	vld [tilespmem:s30+$0x16030];
	_ =	sdelay $0x4  }
0xdd: {  	v19 =	vshll.u32 v18, $0x1  }
0xde: {  	v18 =	vand.u32 $0x7, v18;
	v19 =	vand.u32 $0xFFFFFFF0, v19  }
0xdf: {  	v18 =	vor.u32 v18, v19  }
0xe0: {  	v19 =	vperm.xlane v18, v3;
	_ =	sdelay $0x1  }
0xe1: {  	v34 =	vperm.xlane v18, v2;
	v19 =	vadd.s32 v4, v19;
	_ =	sdelay $0x1  }
0xe2: {  	v35 =	vperm.xlane v18, v5;
	v20 =	vadd.s32 v4, v34;
	_ =	sdelay $0x1  }
0xe3: {  	s1 =	simm.s32 $0x1C800;
	v36 =	vperm.xlane v18, v6;
	v21 =	vadd.s32 v4, v35  }
0xe4: {  	[tilespmem:s1], [sflag:$0x1] =	stream.indirect_vreg.gather [hbm4b:s0+s4], $0x80, v19, vm0, $0xb8;
	[tilespmem:$0x1F000] =	vst v63  }
0xe5: {  	v37 =	vperm.xlane v18, v7;
	v19 =	vadd.s32 v4, v36;
	s1 =	simm.s32 $0x1C880  }
0xe6: {  	[tilespmem:s1], [sflag:$0x1] =	stream.indirect_vreg.gather [hbm4b:s0+s4], $0x80, v20, vm0, $0xb8;
	[tilespmem:$0x1F000] =	vst v63  }
0xe7: {  	v39 =	vperm.xlane v18, v8;
	v38 =	vadd.s32 v4, v37;
	s1 =	simm.s32 $0x1C900  }
0xe8: {  	[tilespmem:s1], [sflag:$0x1] =	stream.indirect_vreg.gather [hbm4b:s0+s4], $0x80, v21, vm0, $0xb8;
	[tilespmem:$0x1F000] =	vst v63  }
0xe9: {  	v41 =	vperm.xlane v18, v9;
	v40 =	vadd.s32 v4, v39;
	s1 =	simm.s32 $0x1C980  }
0xea: {  	[tilespmem:s1], [sflag:$0x1] =	stream.indirect_vreg.gather [hbm4b:s0+s4], $0x80, v19, vm0, $0xb8;
	[tilespmem:$0x1F000] =	vst v63  }
0xeb: {  	v42 =	vperm.xlane v18, v1;
	v19 =	vadd.s32 v4, v41;
	s1 =	simm.s32 $0x1CA00  }
0xec: {  	[tilespmem:s1], [sflag:$0x1] =	stream.indirect_vreg.gather [hbm4b:s0+s4], $0x80, v38, vm0, $0xb8;
	[tilespmem:$0x1F000] =	vst v63  }
0xed: {  	v44 =	vperm.xlane v18, v10;
	v43 =	vadd.s32 v4, v42;
	s1 =	simm.s32 $0x1CA80  }
0xee: {  	[tilespmem:s1], [sflag:$0x1] =	stream.indirect_vreg.gather [hbm4b:s0+s4], $0x80, v40, vm0, $0xb8;
	[tilespmem:$0x1F000] =	vst v63  }
0xef: {  	v46 =	vperm.xlane v18, v11;
	v45 =	vadd.s32 v4, v44;
	s1 =	simm.s32 $0x1CB00  }
0xf0: {  	[tilespmem:s1], [sflag:$0x1] =	stream.indirect_vreg.gather [hbm4b:s0+s4], $0x80, v19, vm0, $0xb8;
	[tilespmem:$0x1F000] =	vst v63  }
0xf1: {  	v47 =	vperm.xlane v18, v12;
	v19 =	vadd.s32 v4, v46;
	s1 =	simm.s32 $0x1CB80  }
0xf2: {  	[tilespmem:s1], [sflag:$0x1] =	stream.indirect_vreg.gather [hbm4b:s0+s4], $0x80, v43, vm0, $0xb8;
	[tilespmem:$0x1F000] =	vst v63  }
0xf3: {  	v49 =	vperm.xlane v18, v13;
	v48 =	vadd.s32 v4, v47;
	s1 =	simm.s32 $0x1CC00  }
0xf4: {  	[tilespmem:s1], [sflag:$0x1] =	stream.indirect_vreg.gather [hbm4b:s0+s4], $0x80, v45, vm0, $0xb8;
	[tilespmem:$0x1F000] =	vst v63  }
0xf5: {  	v51 =	vperm.xlane v18, v14;
	v50 =	vadd.s32 v4, v49;
	s1 =	simm.s32 $0x1CC80  }
0xf6: {  	[tilespmem:s1], [sflag:$0x1] =	stream.indirect_vreg.gather [hbm4b:s0+s4], $0x80, v19, vm0, $0xb8;
	[tilespmem:$0x1F000] =	vst v63  }
0xf7: {  	v52 =	vperm.xlane v18, v15;
	v19 =	vadd.s32 v4, v51;
	s1 =	simm.s32 $0x1CD00  }
0xf8: {  	[tilespmem:s1], [sflag:$0x1] =	stream.indirect_vreg.gather [hbm4b:s0+s4], $0x80, v48, vm0, $0xb8;
	[tilespmem:$0x1F000] =	vst v63  }
0xf9: {  	v54 =	vperm.xlane v18, v16;
	v53 =	vadd.s32 v4, v52;
	s1 =	simm.s32 $0x1CD80  }
0xfa: {  	[tilespmem:s1], [sflag:$0x1] =	stream.indirect_vreg.gather [hbm4b:s0+s4], $0x80, v50, vm0, $0xb8;
	[tilespmem:$0x1F000] =	vst v63  }
0xfb: {  	v18 =	vperm.xlane v18, v17;
	v55 =	vadd.s32 v4, v54;
	s1 =	simm.s32 $0x1CE00  }
0xfc: {  	[tilespmem:s1], [sflag:$0x1] =	stream.indirect_vreg.gather [hbm4b:s0+s4], $0x80, v19, vm0, $0xb8;
	[tilespmem:$0x1F000] =	vst v63  }
0xfd: {  	v18 =	vadd.s32 v4, v18;
	s1 =	simm.s32 $0x1CE80  }
0xfe: {  	[tilespmem:s1], [sflag:$0x1] =	stream.indirect_vreg.gather [hbm4b:s0+s4], $0x80, v53, vm0, $0xb8;
	[tilespmem:$0x1F000] =	vst v63  }
0xff: {  	s1 =	simm.s32 $0x1CF00  }
0x100: {  	[tilespmem:s1], [sflag:$0x1] =	stream.indirect_vreg.gather [hbm4b:s0+s4], $0x80, v55, vm0, $0xb8;
	[tilespmem:$0x1F000] =	vst v63  }
0x101: {  	s1 =	simm.s32 $0x1CF80  }
0x102: {  	[tilespmem:s1], [sflag:$0x1] =	stream.indirect_vreg.gather [hbm4b:s0+s4], $0x80, v18, vm0, $0xb8;
	[tilespmem:$0x1F000] =	vst v63  }
0x103: {  	v18 =	vld [tilespmem:s30+$0x16040];
	_ =	sdelay $0x4  }
0x104: {  	v19 =	vshll.u32 v18, $0x1  }
0x105: {  	v18 =	vand.u32 $0x7, v18;
	v19 =	vand.u32 $0xFFFFFFF0, v19  }
0x106: {  	v18 =	vor.u32 v18, v19  }
0x107: {  	v19 =	vperm.xlane v18, v3;
	_ =	sdelay $0x1  }
0x108: {  	v56 =	vperm.xlane v18, v2;
	v19 =	vadd.s32 v4, v19;
	_ =	sdelay $0x1  }
0x109: {  	v57 =	vperm.xlane v18, v5;
	v20 =	vadd.s32 v4, v56;
	_ =	sdelay $0x1  }
0x10a: {  	s1 =	simm.s32 $0x1D000;
	v58 =	vperm.xlane v18, v6;
	v21 =	vadd.s32 v4, v57  }
0x10b: {  	[tilespmem:s1], [sflag:$0x1] =	stream.indirect_vreg.gather [hbm4b:s0+s4], $0x80, v19, vm0, $0xb8;
	[tilespmem:$0x1F000] =	vst v63  }
0x10c: {  	v59 =	vperm.xlane v18, v7;
	v19 =	vadd.s32 v4, v58;
	s1 =	simm.s32 $0x1D080  }
0x10d: {  	[tilespmem:s1], [sflag:$0x1] =	stream.indirect_vreg.gather [hbm4b:s0+s4], $0x80, v20, vm0, $0xb8;
	[tilespmem:$0x1F000] =	vst v63  }
0x10e: {  	v61 =	vperm.xlane v18, v8;
	v60 =	vadd.s32 v4, v59;
	s1 =	simm.s32 $0x1D100  }
0x10f: {  	[tilespmem:s1], [sflag:$0x1] =	stream.indirect_vreg.gather [hbm4b:s0+s4], $0x80, v21, vm0, $0xb8;
	[tilespmem:$0x1F000] =	vst v63  }
0x110: {  	v63 =	vperm.xlane v18, v9;
	v62 =	vadd.s32 v4, v61;
	s1 =	simm.s32 $0x1D180  }
0x111: {  	[tilespmem:s1], [sflag:$0x1] =	stream.indirect_vreg.gather [hbm4b:s0+s4], $0x80, v19, vm0, $0xb8;
	[tilespmem:$0x1F000] =	vst v63  }
0x112: {  	v24 =	vperm.xlane v18, v1;
	v19 =	vadd.s32 v4, v63;
	s1 =	simm.s32 $0x1D200  }
0x113: {  	[tilespmem:s1], [sflag:$0x1] =	stream.indirect_vreg.gather [hbm4b:s0+s4], $0x80, v60, vm0, $0xb8;
	[tilespmem:$0x1F000] =	vst v63  }
0x114: {  	v26 =	vperm.xlane v18, v10;
	v25 =	vadd.s32 v4, v24;
	s1 =	simm.s32 $0x1D280  }
0x115: {  	[tilespmem:s1], [sflag:$0x1] =	stream.indirect_vreg.gather [hbm4b:s0+s4], $0x80, v62, vm0, $0xb8;
	[tilespmem:$0x1F000] =	vst v63  }
0x116: {  	v28 =	vperm.xlane v18, v11;
	v27 =	vadd.s32 v4, v26;
	s1 =	simm.s32 $0x1D300  }
0x117: {  	[tilespmem:s1], [sflag:$0x1] =	stream.indirect_vreg.gather [hbm4b:s0+s4], $0x80, v19, vm0, $0xb8;
	[tilespmem:$0x1F000] =	vst v63  }
0x118: {  	v29 =	vperm.xlane v18, v12;
	v19 =	vadd.s32 v4, v28;
	s1 =	simm.s32 $0x1D380  }
0x119: {  	[tilespmem:s1], [sflag:$0x1] =	stream.indirect_vreg.gather [hbm4b:s0+s4], $0x80, v25, vm0, $0xb8;
	[tilespmem:$0x1F000] =	vst v63  }
0x11a: {  	v31 =	vperm.xlane v18, v13;
	v30 =	vadd.s32 v4, v29;
	s1 =	simm.s32 $0x1D400  }
0x11b: {  	[tilespmem:s1], [sflag:$0x1] =	stream.indirect_vreg.gather [hbm4b:s0+s4], $0x80, v27, vm0, $0xb8;
	[tilespmem:$0x1F000] =	vst v63  }
0x11c: {  	v33 =	vperm.xlane v18, v14;
	v32 =	vadd.s32 v4, v31;
	s1 =	simm.s32 $0x1D480  }
0x11d: {  	[tilespmem:s1], [sflag:$0x1] =	stream.indirect_vreg.gather [hbm4b:s0+s4], $0x80, v19, vm0, $0xb8;
	[tilespmem:$0x1F000] =	vst v63  }
0x11e: {  	v34 =	vperm.xlane v18, v15;
	v19 =	vadd.s32 v4, v33;
	s1 =	simm.s32 $0x1D500  }
0x11f: {  	[tilespmem:s1], [sflag:$0x1] =	stream.indirect_vreg.gather [hbm4b:s0+s4], $0x80, v30, vm0, $0xb8;
	[tilespmem:$0x1F000] =	vst v63  }
0x120: {  	v36 =	vperm.xlane v18, v16;
	v35 =	vadd.s32 v4, v34;
	s1 =	simm.s32 $0x1D580  }
0x121: {  	[tilespmem:s1], [sflag:$0x1] =	stream.indirect_vreg.gather [hbm4b:s0+s4], $0x80, v32, vm0, $0xb8;
	[tilespmem:$0x1F000] =	vst v63  }
0x122: {  	v18 =	vperm.xlane v18, v17;
	v37 =	vadd.s32 v4, v36;
	s1 =	simm.s32 $0x1D600  }
0x123: {  	[tilespmem:s1], [sflag:$0x1] =	stream.indirect_vreg.gather [hbm4b:s0+s4], $0x80, v19, vm0, $0xb8;
	[tilespmem:$0x1F000] =	vst v63  }
0x124: {  	v18 =	vadd.s32 v4, v18;
	s1 =	simm.s32 $0x1D680  }
0x125: {  	[tilespmem:s1], [sflag:$0x1] =	stream.indirect_vreg.gather [hbm4b:s0+s4], $0x80, v35, vm0, $0xb8;
	[tilespmem:$0x1F000] =	vst v63  }
0x126: {  	s1 =	simm.s32 $0x1D700  }
0x127: {  	[tilespmem:s1], [sflag:$0x1] =	stream.indirect_vreg.gather [hbm4b:s0+s4], $0x80, v37, vm0, $0xb8;
	[tilespmem:$0x1F000] =	vst v63  }
0x128: {  	s1 =	simm.s32 $0x1D780  }
0x129: {  	[tilespmem:s1], [sflag:$0x1] =	stream.indirect_vreg.gather [hbm4b:s0+s4], $0x80, v18, vm0, $0xb8;
	[tilespmem:$0x1F000] =	vst v63  }
0x12a: {  	v18 =	vld [tilespmem:s30+$0x16050];
	_ =	sdelay $0x4  }
0x12b: {  	v19 =	vshll.u32 v18, $0x1  }
0x12c: {  	v18 =	vand.u32 $0x7, v18;
	v19 =	vand.u32 $0xFFFFFFF0, v19  }
0x12d: {  	v18 =	vor.u32 v18, v19  }
0x12e: {  	v19 =	vperm.xlane v18, v3;
	_ =	sdelay $0x1  }
0x12f: {  	v38 =	vperm.xlane v18, v2;
	v19 =	vadd.s32 v4, v19;
	_ =	sdelay $0x1  }
0x130: {  	v39 =	vperm.xlane v18, v5;
	v20 =	vadd.s32 v4, v38;
	_ =	sdelay $0x1  }
0x131: {  	s1 =	simm.s32 $0x1D800;
	v40 =	vperm.xlane v18, v6;
	v21 =	vadd.s32 v4, v39  }
0x132: {  	[tilespmem:s1], [sflag:$0x1] =	stream.indirect_vreg.gather [hbm4b:s0+s4], $0x80, v19, vm0, $0xb8;
	[tilespmem:$0x1F000] =	vst v63  }
0x133: {  	v41 =	vperm.xlane v18, v7;
	v19 =	vadd.s32 v4, v40;
	s1 =	simm.s32 $0x1D880  }
0x134: {  	[tilespmem:s1], [sflag:$0x1] =	stream.indirect_vreg.gather [hbm4b:s0+s4], $0x80, v20, vm0, $0xb8;
	[tilespmem:$0x1F000] =	vst v63  }
0x135: {  	v43 =	vperm.xlane v18, v8;
	v42 =	vadd.s32 v4, v41;
	s1 =	simm.s32 $0x1D900  }
0x136: {  	[tilespmem:s1], [sflag:$0x1] =	stream.indirect_vreg.gather [hbm4b:s0+s4], $0x80, v21, vm0, $0xb8;
	[tilespmem:$0x1F000] =	vst v63  }
0x137: {  	v45 =	vperm.xlane v18, v9;
	v44 =	vadd.s32 v4, v43;
	s1 =	simm.s32 $0x1D980  }
0x138: {  	[tilespmem:s1], [sflag:$0x1] =	stream.indirect_vreg.gather [hbm4b:s0+s4], $0x80, v19, vm0, $0xb8;
	[tilespmem:$0x1F000] =	vst v63  }
0x139: {  	v46 =	vperm.xlane v18, v1;
	v19 =	vadd.s32 v4, v45;
	s1 =	simm.s32 $0x1DA00  }
0x13a: {  	[tilespmem:s1], [sflag:$0x1] =	stream.indirect_vreg.gather [hbm4b:s0+s4], $0x80, v42, vm0, $0xb8;
	[tilespmem:$0x1F000] =	vst v63  }
0x13b: {  	v48 =	vperm.xlane v18, v10;
	v47 =	vadd.s32 v4, v46;
	s1 =	simm.s32 $0x1DA80  }
0x13c: {  	[tilespmem:s1], [sflag:$0x1] =	stream.indirect_vreg.gather [hbm4b:s0+s4], $0x80, v44, vm0, $0xb8;
	[tilespmem:$0x1F000] =	vst v63  }
0x13d: {  	v50 =	vperm.xlane v18, v11;
	v49 =	vadd.s32 v4, v48;
	s1 =	simm.s32 $0x1DB00  }
0x13e: {  	[tilespmem:s1], [sflag:$0x1] =	stream.indirect_vreg.gather [hbm4b:s0+s4], $0x80, v19, vm0, $0xb8;
	[tilespmem:$0x1F000] =	vst v63  }
0x13f: {  	v51 =	vperm.xlane v18, v12;
	v19 =	vadd.s32 v4, v50;
	s1 =	simm.s32 $0x1DB80  }
0x140: {  	[tilespmem:s1], [sflag:$0x1] =	stream.indirect_vreg.gather [hbm4b:s0+s4], $0x80, v47, vm0, $0xb8;
	[tilespmem:$0x1F000] =	vst v63  }
0x141: {  	v53 =	vperm.xlane v18, v13;
	v52 =	vadd.s32 v4, v51;
	s1 =	simm.s32 $0x1DC00  }
0x142: {  	[tilespmem:s1], [sflag:$0x1] =	stream.indirect_vreg.gather [hbm4b:s0+s4], $0x80, v49, vm0, $0xb8;
	[tilespmem:$0x1F000] =	vst v63  }
0x143: {  	v55 =	vperm.xlane v18, v14;
	v54 =	vadd.s32 v4, v53;
	s1 =	simm.s32 $0x1DC80  }
0x144: {  	[tilespmem:s1], [sflag:$0x1] =	stream.indirect_vreg.gather [hbm4b:s0+s4], $0x80, v19, vm0, $0xb8;
	[tilespmem:$0x1F000] =	vst v63  }
0x145: {  	v56 =	vperm.xlane v18, v15;
	v19 =	vadd.s32 v4, v55;
	s1 =	simm.s32 $0x1DD00  }
0x146: {  	[tilespmem:s1], [sflag:$0x1] =	stream.indirect_vreg.gather [hbm4b:s0+s4], $0x80, v52, vm0, $0xb8;
	[tilespmem:$0x1F000] =	vst v63  }
0x147: {  	v58 =	vperm.xlane v18, v16;
	v57 =	vadd.s32 v4, v56;
	s1 =	simm.s32 $0x1DD80  }
0x148: {  	[tilespmem:s1], [sflag:$0x1] =	stream.indirect_vreg.gather [hbm4b:s0+s4], $0x80, v54, vm0, $0xb8;
	[tilespmem:$0x1F000] =	vst v63  }
0x149: {  	v18 =	vperm.xlane v18, v17;
	v59 =	vadd.s32 v4, v58;
	s1 =	simm.s32 $0x1DE00  }
0x14a: {  	[tilespmem:s1], [sflag:$0x1] =	stream.indirect_vreg.gather [hbm4b:s0+s4], $0x80, v19, vm0, $0xb8;
	[tilespmem:$0x1F000] =	vst v63  }
0x14b: {  	v18 =	vadd.s32 v4, v18;
	s1 =	simm.s32 $0x1DE80  }
0x14c: {  	[tilespmem:s1], [sflag:$0x1] =	stream.indirect_vreg.gather [hbm4b:s0+s4], $0x80, v57, vm0, $0xb8;
	[tilespmem:$0x1F000] =	vst v63  }
0x14d: {  	s1 =	simm.s32 $0x1DF00  }
0x14e: {  	[tilespmem:s1], [sflag:$0x1] =	stream.indirect_vreg.gather [hbm4b:s0+s4], $0x80, v59, vm0, $0xb8;
	[tilespmem:$0x1F000] =	vst v63  }
0x14f: {  	s1 =	simm.s32 $0x1DF80  }
0x150: {  	[tilespmem:s1], [sflag:$0x1] =	stream.indirect_vreg.gather [hbm4b:s0+s4], $0x80, v18, vm0, $0xb8;
	[tilespmem:$0x1F000] =	vst v63  }
0x151: {  	v18 =	vld [tilespmem:s30+$0x16060];
	_ =	sdelay $0x4  }
0x152: {  	v19 =	vshll.u32 v18, $0x1  }
0x153: {  	v18 =	vand.u32 $0x7, v18;
	v19 =	vand.u32 $0xFFFFFFF0, v19  }
0x154: {  	v18 =	vor.u32 v18, v19  }
0x155: {  	v19 =	vperm.xlane v18, v3;
	_ =	sdelay $0x1  }
0x156: {  	v60 =	vperm.xlane v18, v2;
	v19 =	vadd.s32 v4, v19;
	_ =	sdelay $0x1  }
0x157: {  	v61 =	vperm.xlane v18, v5;
	v20 =	vadd.s32 v4, v60;
	_ =	sdelay $0x1  }
0x158: {  	s1 =	simm.s32 $0x1E000;
	v62 =	vperm.xlane v18, v6;
	v21 =	vadd.s32 v4, v61  }
0x159: {  	[tilespmem:s1], [sflag:$0x1] =	stream.indirect_vreg.gather [hbm4b:s0+s4], $0x80, v19, vm0, $0xb8;
	[tilespmem:$0x1F000] =	vst v63  }
0x15a: {  	v63 =	vperm.xlane v18, v7;
	v19 =	vadd.s32 v4, v62;
	s1 =	simm.s32 $0x1E080  }
0x15b: {  	[tilespmem:s1], [sflag:$0x1] =	stream.indirect_vreg.gather [hbm4b:s0+s4], $0x80, v20, vm0, $0xb8;
	[tilespmem:$0x1F000] =	vst v63  }
0x15c: {  	v25 =	vperm.xlane v18, v8;
	v24 =	vadd.s32 v4, v63;
	s1 =	simm.s32 $0x1E100  }
0x15d: {  	[tilespmem:s1], [sflag:$0x1] =	stream.indirect_vreg.gather [hbm4b:s0+s4], $0x80, v21, vm0, $0xb8;
	[tilespmem:$0x1F000] =	vst v63  }
0x15e: {  	v27 =	vperm.xlane v18, v9;
	v26 =	vadd.s32 v4, v25;
	s1 =	simm.s32 $0x1E180  }
0x15f: {  	[tilespmem:s1], [sflag:$0x1] =	stream.indirect_vreg.gather [hbm4b:s0+s4], $0x80, v19, vm0, $0xb8;
	[tilespmem:$0x1F000] =	vst v63  }
0x160: {  	v28 =	vperm.xlane v18, v1;
	v19 =	vadd.s32 v4, v27;
	s1 =	simm.s32 $0x1E200  }
0x161: {  	[tilespmem:s1], [sflag:$0x1] =	stream.indirect_vreg.gather [hbm4b:s0+s4], $0x80, v24, vm0, $0xb8;
	[tilespmem:$0x1F000] =	vst v63  }
0x162: {  	v30 =	vperm.xlane v18, v10;
	v29 =	vadd.s32 v4, v28;
	s1 =	simm.s32 $0x1E280  }
0x163: {  	[tilespmem:s1], [sflag:$0x1] =	stream.indirect_vreg.gather [hbm4b:s0+s4], $0x80, v26, vm0, $0xb8;
	[tilespmem:$0x1F000] =	vst v63  }
0x164: {  	v32 =	vperm.xlane v18, v11;
	v31 =	vadd.s32 v4, v30;
	s1 =	simm.s32 $0x1E300  }
0x165: {  	[tilespmem:s1], [sflag:$0x1] =	stream.indirect_vreg.gather [hbm4b:s0+s4], $0x80, v19, vm0, $0xb8;
	[tilespmem:$0x1F000] =	vst v63  }
0x166: {  	v33 =	vperm.xlane v18, v12;
	v19 =	vadd.s32 v4, v32;
	s1 =	simm.s32 $0x1E380  }
0x167: {  	[tilespmem:s1], [sflag:$0x1] =	stream.indirect_vreg.gather [hbm4b:s0+s4], $0x80, v29, vm0, $0xb8;
	[tilespmem:$0x1F000] =	vst v63  }
0x168: {  	v35 =	vperm.xlane v18, v13;
	v34 =	vadd.s32 v4, v33;
	s1 =	simm.s32 $0x1E400  }
0x169: {  	[tilespmem:s1], [sflag:$0x1] =	stream.indirect_vreg.gather [hbm4b:s0+s4], $0x80, v31, vm0, $0xb8;
	[tilespmem:$0x1F000] =	vst v63  }
0x16a: {  	v37 =	vperm.xlane v18, v14;
	v36 =	vadd.s32 v4, v35;
	s1 =	simm.s32 $0x1E480  }
0x16b: {  	[tilespmem:s1], [sflag:$0x1] =	stream.indirect_vreg.gather [hbm4b:s0+s4], $0x80, v19, vm0, $0xb8;
	[tilespmem:$0x1F000] =	vst v63  }
0x16c: {  	v38 =	vperm.xlane v18, v15;
	v19 =	vadd.s32 v4, v37;
	s1 =	simm.s32 $0x1E500  }
0x16d: {  	[tilespmem:s1], [sflag:$0x1] =	stream.indirect_vreg.gather [hbm4b:s0+s4], $0x80, v34, vm0, $0xb8;
	[tilespmem:$0x1F000] =	vst v63  }
0x16e: {  	v40 =	vperm.xlane v18, v16;
	v39 =	vadd.s32 v4, v38;
	s1 =	simm.s32 $0x1E580  }
0x16f: {  	[tilespmem:s1], [sflag:$0x1] =	stream.indirect_vreg.gather [hbm4b:s0+s4], $0x80, v36, vm0, $0xb8;
	[tilespmem:$0x1F000] =	vst v63  }
0x170: {  	v18 =	vperm.xlane v18, v17;
	v41 =	vadd.s32 v4, v40;
	s1 =	simm.s32 $0x1E600  }
0x171: {  	[tilespmem:s1], [sflag:$0x1] =	stream.indirect_vreg.gather [hbm4b:s0+s4], $0x80, v19, vm0, $0xb8;
	[tilespmem:$0x1F000] =	vst v63  }
0x172: {  	v18 =	vadd.s32 v4, v18;
	s1 =	simm.s32 $0x1E680  }
0x173: {  	[tilespmem:s1], [sflag:$0x1] =	stream.indirect_vreg.gather [hbm4b:s0+s4], $0x80, v39, vm0, $0xb8;
	[tilespmem:$0x1F000] =	vst v63  }
0x174: {  	s1 =	simm.s32 $0x1E700  }
0x175: {  	[tilespmem:s1], [sflag:$0x1] =	stream.indirect_vreg.gather [hbm4b:s0+s4], $0x80, v41, vm0, $0xb8;
	[tilespmem:$0x1F000] =	vst v63  }
0x176: {  	s1 =	simm.s32 $0x1E780  }
0x177: {  	[tilespmem:s1], [sflag:$0x1] =	stream.indirect_vreg.gather [hbm4b:s0+s4], $0x80, v18, vm0, $0xb8;
	[tilespmem:$0x1F000] =	vst v63  }
0x178: {  	v18 =	vld [tilespmem:s30+$0x16070];
	_ =	sdelay $0x4  }
0x179: {  	v19 =	vshll.u32 v18, $0x1  }
0x17a: {  	v18 =	vand.u32 $0x7, v18;
	v19 =	vand.u32 $0xFFFFFFF0, v19  }
0x17b: {  	v18 =	vor.u32 v18, v19  }
0x17c: {  	v19 =	vperm.xlane v18, v3;
	_ =	sdelay $0x1  }
0x17d: {  	v42 =	vperm.xlane v18, v2;
	v19 =	vadd.s32 v4, v19;
	_ =	sdelay $0x1  }
0x17e: {  	v43 =	vperm.xlane v18, v5;
	v20 =	vadd.s32 v4, v42;
	_ =	sdelay $0x1  }
0x17f: {  	s1 =	simm.s32 $0x1E800;
	v44 =	vperm.xlane v18, v6;
	v21 =	vadd.s32 v4, v43  }
0x180: {  	[tilespmem:s1], [sflag:$0x1] =	stream.indirect_vreg.gather [hbm4b:s0+s4], $0x80, v19, vm0, $0xb8;
	[tilespmem:$0x1F000] =	vst v63  }
0x181: {  	v45 =	vperm.xlane v18, v7;
	v19 =	vadd.s32 v4, v44;
	s1 =	simm.s32 $0x1E880  }
0x182: {  	[tilespmem:s1], [sflag:$0x1] =	stream.indirect_vreg.gather [hbm4b:s0+s4], $0x80, v20, vm0, $0xb8;
	[tilespmem:$0x1F000] =	vst v63  }
0x183: {  	v47 =	vperm.xlane v18, v8;
	v46 =	vadd.s32 v4, v45;
	s1 =	simm.s32 $0x1E900  }
0x184: {  	[tilespmem:s1], [sflag:$0x1] =	stream.indirect_vreg.gather [hbm4b:s0+s4], $0x80, v21, vm0, $0xb8;
	[tilespmem:$0x1F000] =	vst v63  }
0x185: {  	v49 =	vperm.xlane v18, v9;
	v48 =	vadd.s32 v4, v47;
	s1 =	simm.s32 $0x1E980  }
0x186: {  	[tilespmem:s1], [sflag:$0x1] =	stream.indirect_vreg.gather [hbm4b:s0+s4], $0x80, v19, vm0, $0xb8;
	[tilespmem:$0x1F000] =	vst v63  }
0x187: {  	v50 =	vperm.xlane v18, v1;
	v19 =	vadd.s32 v4, v49;
	s1 =	simm.s32 $0x1EA00  }
0x188: {  	[tilespmem:s1], [sflag:$0x1] =	stream.indirect_vreg.gather [hbm4b:s0+s4], $0x80, v46, vm0, $0xb8;
	[tilespmem:$0x1F000] =	vst v63  }
0x189: {  	v52 =	vperm.xlane v18, v10;
	v51 =	vadd.s32 v4, v50;
	s1 =	simm.s32 $0x1EA80  }
0x18a: {  	[tilespmem:s1], [sflag:$0x1] =	stream.indirect_vreg.gather [hbm4b:s0+s4], $0x80, v48, vm0, $0xb8;
	[tilespmem:$0x1F000] =	vst v63  }
0x18b: {  	v54 =	vperm.xlane v18, v11;
	v53 =	vadd.s32 v4, v52;
	s1 =	simm.s32 $0x1EB00  }
0x18c: {  	[tilespmem:s1], [sflag:$0x1] =	stream.indirect_vreg.gather [hbm4b:s0+s4], $0x80, v19, vm0, $0xb8;
	[tilespmem:$0x1F000] =	vst v63  }
0x18d: {  	v55 =	vperm.xlane v18, v12;
	v19 =	vadd.s32 v4, v54;
	s1 =	simm.s32 $0x1EB80  }
0x18e: {  	[tilespmem:s1], [sflag:$0x1] =	stream.indirect_vreg.gather [hbm4b:s0+s4], $0x80, v51, vm0, $0xb8;
	[tilespmem:$0x1F000] =	vst v63  }
0x18f: {  	v57 =	vperm.xlane v18, v13;
	v56 =	vadd.s32 v4, v55;
	s1 =	simm.s32 $0x1EC00  }
0x190: {  	[tilespmem:s1], [sflag:$0x1] =	stream.indirect_vreg.gather [hbm4b:s0+s4], $0x80, v53, vm0, $0xb8;
	[tilespmem:$0x1F000] =	vst v63  }
0x191: {  	v59 =	vperm.xlane v18, v14;
	v58 =	vadd.s32 v4, v57;
	s1 =	simm.s32 $0x1EC80  }
0x192: {  	[tilespmem:s1], [sflag:$0x1] =	stream.indirect_vreg.gather [hbm4b:s0+s4], $0x80, v19, vm0, $0xb8;
	[tilespmem:$0x1F000] =	vst v63  }
0x193: {  	v60 =	vperm.xlane v18, v15;
	v19 =	vadd.s32 v4, v59;
	s1 =	simm.s32 $0x1ED00  }
0x194: {  	[tilespmem:s1], [sflag:$0x1] =	stream.indirect_vreg.gather [hbm4b:s0+s4], $0x80, v56, vm0, $0xb8;
	[tilespmem:$0x1F000] =	vst v63  }
0x195: {  	v62 =	vperm.xlane v18, v16;
	v61 =	vadd.s32 v4, v60;
	s1 =	simm.s32 $0x1ED80  }
0x196: {  	[tilespmem:s1], [sflag:$0x1] =	stream.indirect_vreg.gather [hbm4b:s0+s4], $0x80, v58, vm0, $0xb8;
	[tilespmem:$0x1F000] =	vst v63  }
0x197: {  	v18 =	vperm.xlane v18, v17;
	v63 =	vadd.s32 v4, v62;
	s1 =	simm.s32 $0x1EE00  }
0x198: {  	[tilespmem:s1], [sflag:$0x1] =	stream.indirect_vreg.gather [hbm4b:s0+s4], $0x80, v19, vm0, $0xb8;
	[tilespmem:$0x1F000] =	vst v63  }
0x199: {  	v18 =	vadd.s32 v4, v18;
	s1 =	simm.s32 $0x1EE80  }
0x19a: {  	[tilespmem:s1], [sflag:$0x1] =	stream.indirect_vreg.gather [hbm4b:s0+s4], $0x80, v61, vm0, $0xb8;
	[tilespmem:$0x1F000] =	vst v63  }
0x19b: {  	s1 =	simm.s32 $0x1EF00  }
0x19c: {  	[tilespmem:s1], [sflag:$0x1] =	stream.indirect_vreg.gather [hbm4b:s0+s4], $0x80, v63, vm0, $0xb8;
	[tilespmem:$0x1F000] =	vst v63  }
0x19d: {  	s1 =	simm.s32 $0x1EF80  }
0x19e: {  	[tilespmem:s1], [sflag:$0x1] =	stream.indirect_vreg.gather [hbm4b:s0+s4], $0x80, v18, vm0, $0xb8;
	[tilespmem:$0x1F000] =	vst v63  }
0x19f: {  	_ =	swait.ge [sflag:s7], $0x4000  }
0x1a0: {  	p1 =	sne.s32 s3, $0x9C00;
	s30 =	sadd.s32 $0x18800, s30;
	[sflag:s7] =	ssyncset.done $0x0  }
.Ltmp1:
0x1a1: {  	s1 =	simm.s32 $0x80;
	[sflag:s7] =	ssyncadd.s32 $0xFFFFC000;
	(pc) =	sbr.rel @p1 .LBB2_4-.Ltmp1, $4  }
0x1a2: {  	[spmem:s31] =	stream.indirect.scatter.add.f32 [tilespmem:s29], [sflag:$0x2], $0x80, s30, s1, $0xb8;
	[tilespmem:$0x1F000] =	vst v63  }
0x1a3: {  	_ =	swait.ge [sflag:s25], $0x4000  }
0x1a4: {  	[sflag:s25] =	ssyncset.done $0x0  }
0x1a5: {  	s3 =	sadd.s32 $0x200, s3;
	[sflag:s25] =	ssyncadd.s32 $0xFFFFC000  }
0x1a6: {  	s3 =	stileid.u32;
	[bflag:$0x0] =	sbarrier.arrive $0xFFFF  }
0x1a7: {  	s2 =	simm.s32 $0x8;
	s5 =	simm.s32 $0x100;
	s1 =	rddreg [dreg:$0x7]  }
0x1a8: {  	s3 =	sshll.u32 s3, $0x6;
	s26 =	rddreg [dreg:$0x11];
	s9 =	sshrl.u32 s1, $0x3  }
0x1a9: {  	s6 =	simm.s32 $0x80;
	s8 =	sor.u32 $0x1C02, s3;
	[dreg:$0x19] =	wrdreg s9  }
0x1aa: {  	[hbm:s26@s5], [sflag:s8] =	dma.strided [spmem:s9@s6], $0x1900, s2, $0x10   }
0x1ab: {  	_ =	swait.ge [sflag:s25], $0x1900;
	[dreg:$0x18] =	wrdreg s8  }
0x1ac: {  	s30 =	simm.s32 @!p0 $0x100;
	s3 =	rddreg [dreg:$0x13]  }
0x1ad: {  	s31 =	simm.s32 @!p0 $0x80;
	[sflag:s25] =	ssyncset.done $0x0;
	s24 =	rddreg [dreg:$0x12]  }
0x1ae: {  	[sflag:s25] =	ssyncadd.s32 $0xFFFFE700;
	s5 =	sshrl.u32 @!p0 s3, $0x3;
	s3 =	simm.s32 @!p0 $0x8  }
0x1af: {  	[hbm:s24@s30], [sflag:s8] =	dma.strided @!p0 [spmem:s5@s31], $0xF00, s3, $0x10   }
0x1b0: {  	s3 =	simm.s32 @!p0 $0x2  }
0x1b1: {  	s31 =	rddreg [dreg:$0x3];
	_ =	swait.ge @!p0 [sflag:s3], $0xF00  }
0x1b2: {  	[sflag:s3] =	ssyncset.done @!p0 $0x0  }
0x1b3: {  	[sflag:s3] =	ssyncadd.s32 @!p0 $0xFFFFF100  }
0x1b4: {  	s3 =	simm.s32 $0x14000;
	[bflag:$0x0] =	sbarrier.arrive $0xFFFF  }
0x1b5: {  	[spmem:s1] =	stream.linear.scatter [tilespmem:s3], [sflag:$0x2], $0x2000, $0x38;
	[tilespmem:$0x1F000] =	vst v63  }
0x1b6: {  	_ =	swait.ge [sflag:s25], $0x2000  }
0x1b7: {  	[sflag:s25] =	ssyncset.done $0x0  }
0x1b8: {  	s30 =	rddreg [dreg:$0x8];
	[sflag:s25] =	ssyncadd.s32 $0xFFFFE000  }
0x1b9: {  	[spmem:s30] =	stream.linear.scatter [tilespmem:s3], [sflag:$0x2], $0x2000, $0x38;
	[tilespmem:$0x1F000] =	vst v63  }
0x1ba: {  	_ =	swait.ge [sflag:s25], $0x2000  }
0x1bb: {  	[sflag:s25] =	ssyncset.done $0x0  }
0x1bc: {  	s24 =	rddreg [dreg:$0x9];
	[sflag:s25] =	ssyncadd.s32 $0xFFFFE000  }
0x1bd: {  	[spmem:s24] =	stream.linear.scatter [tilespmem:s3], [sflag:$0x2], $0x2000, $0x38;
	[tilespmem:$0x1F000] =	vst v63  }
0x1be: {  	_ =	swait.ge [sflag:s25], $0x2000  }
0x1bf: {  	[sflag:s25] =	ssyncset.done $0x0  }
0x1c0: {  	s30 =	rddreg [dreg:$0xa];
	[sflag:s25] =	ssyncadd.s32 $0xFFFFE000  }
0x1c1: {  	[spmem:s30] =	stream.linear.scatter [tilespmem:s3], [sflag:$0x2], $0x2000, $0x38;
	[tilespmem:$0x1F000] =	vst v63  }
0x1c2: {  	_ =	swait.ge [sflag:s25], $0x2000  }
0x1c3: {  	[sflag:s25] =	ssyncset.done $0x0  }
0x1c4: {  	s24 =	rddreg [dreg:$0xb];
	[sflag:s25] =	ssyncadd.s32 $0xFFFFE000  }
0x1c5: {  	[spmem:s24] =	stream.linear.scatter [tilespmem:s3], [sflag:$0x2], $0x2000, $0x38;
	[tilespmem:$0x1F000] =	vst v63  }
0x1c6: {  	_ =	swait.ge [sflag:s25], $0x2000  }
0x1c7: {  	[sflag:s25] =	ssyncset.done $0x0  }
0x1c8: {  	s30 =	rddreg [dreg:$0xc];
	[sflag:s25] =	ssyncadd.s32 $0xFFFFE000  }
0x1c9: {  	[spmem:s30] =	stream.linear.scatter [tilespmem:s3], [sflag:$0x2], $0x2000, $0x38;
	[tilespmem:$0x1F000] =	vst v63  }
0x1ca: {  	_ =	swait.ge [sflag:s25], $0x2000  }
0x1cb: {  	[sflag:s25] =	ssyncset.done $0x0  }
0x1cc: {  	s24 =	rddreg [dreg:$0xd];
	[sflag:s25] =	ssyncadd.s32 $0xFFFFE000  }
0x1cd: {  	[spmem:s24] =	stream.linear.scatter [tilespmem:s3], [sflag:$0x2], $0x2000, $0x38;
	[tilespmem:$0x1F000] =	vst v63  }
0x1ce: {  	s28 =	simm.s32 $0x1BA80;
	_ =	swait.ge [sflag:s25], $0x2000  }
0x1cf: {  	s16 =	simm.s32 $0x1BA00;
	s15 =	simm.s32 $0x1B980;
	[sflag:s25] =	ssyncset.done $0x0  }
0x1d0: {  	s14 =	simm.s32 $0x1B900;
	s30 =	rddreg [dreg:$0xe];
	[sflag:s25] =	ssyncadd.s32 $0xFFFFE000  }
0x1d1: {  	[spmem:s30] =	stream.linear.scatter [tilespmem:s3], [sflag:$0x2], $0x2000, $0x38;
	[tilespmem:$0x1F000] =	vst v63  }
0x1d2: {  	s13 =	simm.s32 $0x1B880;
	s12 =	simm.s32 $0x1B800;
	_ =	swait.ge [sflag:s25], $0x2000  }
0x1d3: {  	s11 =	simm.s32 $0x1B780;
	s10 =	simm.s32 $0x1B700;
	[sflag:s25] =	ssyncset.done $0x0  }
0x1d4: {  	s23 =	simm.s32 $0x1B580;
	s24 =	rddreg [dreg:$0xf];
	[sflag:s25] =	ssyncadd.s32 $0xFFFFE000  }
0x1d5: {  	[spmem:s24] =	stream.linear.scatter [tilespmem:s3], [sflag:$0x2], $0x2000, $0x38;
	[tilespmem:$0x1F000] =	vst v63  }
0x1d6: {  	s22 =	simm.s32 $0x1B500;
	s21 =	simm.s32 $0x1B480;
	_ =	swait.ge [sflag:s25], $0x2000  }
0x1d7: {  	s19 =	simm.s32 $0x1B400;
	s18 =	simm.s32 $0x1B380;
	[sflag:s25] =	ssyncset.done $0x0  }
0x1d8: {  	s17 =	simm.s32 $0x1B300;
	s30 =	rddreg [dreg:$0x10];
	[sflag:s25] =	ssyncadd.s32 $0xFFFFE000  }
0x1d9: {  	[spmem:s30] =	stream.linear.scatter [tilespmem:s3], [sflag:$0x2], $0x2000, $0x38;
	[tilespmem:$0x1F000] =	vst v63  }
0x1da: {  	s9 =	simm.s32 $0x1B680;
	s6 =	simm.s32 $0x1B280;
	_ =	swait.ge [sflag:s25], $0x2000  }
0x1db: {  	s2 =	simm.s32 $0x1B180;
	s26 =	simm.s32 $0x1B100;
	[sflag:s25] =	ssyncset.done $0x0  }
0x1dc: {  	s8 =	smov.u32 s5;
	s5 =	simm.s32 $0x1BB00;
	[sflag:s25] =	ssyncadd.s32 $0xFFFFE000  }
0x1dd: {  	s1 =	simm.s32 $0x1B080;
	s3 =	simm.s32 $0x0;
	[bflag:$0x0] =	sbarrier.arrive $0xFFFF  }
.LBB2_6:
0x1de: {  	s30 =	sshra.s32 s3, $0x2  }
0x1df: {  	v18 =	vld [tilespmem:s30+$0x16000];
	_ =	sdelay $0x4  }
0x1e0: {  	v19 =	vshll.u32 v18, $0x1  }
0x1e1: {  	v18 =	vand.u32 $0x7, v18;
	v19 =	vand.u32 $0xFFFFFFF0, v19  }
0x1e2: {  	v18 =	vor.u32 v18, v19  }
0x1e3: {  	v19 =	vperm.xlane v18, v3;
	_ =	sdelay $0x1  }
0x1e4: {  	v20 =	vperm.xlane v18, v2;
	v19 =	vadd.s32 v4, v19;
	_ =	sdelay $0x1  }
0x1e5: {  	v21 =	vperm.xlane v18, v5;
	v20 =	vadd.s32 v4, v20;
	_ =	sdelay $0x1  }
0x1e6: {  	v22 =	vperm.xlane v18, v6;
	v21 =	vadd.s32 v4, v21  }
0x1e7: {  	[tilespmem:s29], [sflag:$0x1] =	stream.indirect_vreg.gather [hbm4b:s20+s4], $0x80, v19, vm0, $0xb8;
	[tilespmem:$0x1F000] =	vst v63  }
0x1e8: {  	v51 =	vperm.xlane v18, v7;
	v19 =	vadd.s32 v4, v22  }
0x1e9: {  	[tilespmem:s1], [sflag:$0x1] =	stream.indirect_vreg.gather [hbm4b:s20+s4], $0x80, v20, vm0, $0xb8;
	[tilespmem:$0x1F000] =	vst v63  }
0x1ea: {  	v53 =	vperm.xlane v18, v8;
	v52 =	vadd.s32 v4, v51  }
0x1eb: {  	[tilespmem:s26], [sflag:$0x1] =	stream.indirect_vreg.gather [hbm4b:s20+s4], $0x80, v21, vm0, $0xb8;
	[tilespmem:$0x1F000] =	vst v63  }
0x1ec: {  	v55 =	vperm.xlane v18, v9;
	v54 =	vadd.s32 v4, v53  }
0x1ed: {  	[tilespmem:s2], [sflag:$0x1] =	stream.indirect_vreg.gather [hbm4b:s20+s4], $0x80, v19, vm0, $0xb8;
	[tilespmem:$0x1F000] =	vst v63  }
0x1ee: {  	s24 =	simm.s32 $0x1B200;
	v56 =	vperm.xlane v18, v1;
	v19 =	vadd.s32 v4, v55  }
0x1ef: {  	[tilespmem:s24], [sflag:$0x1] =	stream.indirect_vreg.gather [hbm4b:s20+s4], $0x80, v52, vm0, $0xb8;
	[tilespmem:$0x1F000] =	vst v63  }
0x1f0: {  	v58 =	vperm.xlane v18, v10;
	v57 =	vadd.s32 v4, v56  }
0x1f1: {  	[tilespmem:s6], [sflag:$0x1] =	stream.indirect_vreg.gather [hbm4b:s20+s4], $0x80, v54, vm0, $0xb8;
	[tilespmem:$0x1F000] =	vst v63  }
0x1f2: {  	v60 =	vperm.xlane v18, v11;
	v59 =	vadd.s32 v4, v58  }
0x1f3: {  	[tilespmem:s17], [sflag:$0x1] =	stream.indirect_vreg.gather [hbm4b:s20+s4], $0x80, v19, vm0, $0xb8;
	[tilespmem:$0x1F000] =	vst v63  }
0x1f4: {  	v61 =	vperm.xlane v18, v12;
	v19 =	vadd.s32 v4, v60  }
0x1f5: {  	[tilespmem:s18], [sflag:$0x1] =	stream.indirect_vreg.gather [hbm4b:s20+s4], $0x80, v57, vm0, $0xb8;
	[tilespmem:$0x1F000] =	vst v63  }
0x1f6: {  	v63 =	vperm.xlane v18, v13;
	v62 =	vadd.s32 v4, v61  }
0x1f7: {  	[tilespmem:s19], [sflag:$0x1] =	stream.indirect_vreg.gather [hbm4b:s20+s4], $0x80, v59, vm0, $0xb8;
	[tilespmem:$0x1F000] =	vst v63  }
0x1f8: {  	v25 =	vperm.xlane v18, v14;
	v24 =	vadd.s32 v4, v63  }
0x1f9: {  	[tilespmem:s21], [sflag:$0x1] =	stream.indirect_vreg.gather [hbm4b:s20+s4], $0x80, v19, vm0, $0xb8;
	[tilespmem:$0x1F000] =	vst v63  }
0x1fa: {  	v26 =	vperm.xlane v18, v15;
	v19 =	vadd.s32 v4, v25  }
0x1fb: {  	[tilespmem:s22], [sflag:$0x1] =	stream.indirect_vreg.gather [hbm4b:s20+s4], $0x80, v62, vm0, $0xb8;
	[tilespmem:$0x1F000] =	vst v63  }
0x1fc: {  	v28 =	vperm.xlane v18, v16;
	v27 =	vadd.s32 v4, v26  }
0x1fd: {  	[tilespmem:s23], [sflag:$0x1] =	stream.indirect_vreg.gather [hbm4b:s20+s4], $0x80, v24, vm0, $0xb8;
	[tilespmem:$0x1F000] =	vst v63  }
0x1fe: {  	v18 =	vperm.xlane v18, v17;
	v29 =	vadd.s32 v4, v28;
	s24 =	simm.s32 $0x1B600  }
0x1ff: {  	[tilespmem:s24], [sflag:$0x1] =	stream.indirect_vreg.gather [hbm4b:s20+s4], $0x80, v19, vm0, $0xb8;
	[tilespmem:$0x1F000] =	vst v63  }
0x200: {  	v18 =	vadd.s32 v4, v18  }
0x201: {  	[tilespmem:s9], [sflag:$0x1] =	stream.indirect_vreg.gather [hbm4b:s20+s4], $0x80, v27, vm0, $0xb8;
	[tilespmem:$0x1F000] =	vst v63  }
0x202: {  	_ = 	snop  }
0x203: {  	[tilespmem:s10], [sflag:$0x1] =	stream.indirect_vreg.gather [hbm4b:s20+s4], $0x80, v29, vm0, $0xb8;
	[tilespmem:$0x1F000] =	vst v63  }
0x204: {  	_ = 	snop  }
0x205: {  	[tilespmem:s11], [sflag:$0x1] =	stream.indirect_vreg.gather [hbm4b:s20+s4], $0x80, v18, vm0, $0xb8;
	[tilespmem:$0x1F000] =	vst v63  }
0x206: {  	v18 =	vld [tilespmem:s30+$0x16010];
	_ =	sdelay $0x4  }
0x207: {  	v19 =	vshll.u32 v18, $0x1  }
0x208: {  	v18 =	vand.u32 $0x7, v18;
	v19 =	vand.u32 $0xFFFFFFF0, v19  }
0x209: {  	v18 =	vor.u32 v18, v19  }
0x20a: {  	v19 =	vperm.xlane v18, v3;
	_ =	sdelay $0x1  }
0x20b: {  	v30 =	vperm.xlane v18, v2;
	v19 =	vadd.s32 v4, v19;
	_ =	sdelay $0x1  }
0x20c: {  	v31 =	vperm.xlane v18, v5;
	v20 =	vadd.s32 v4, v30;
	_ =	sdelay $0x1  }
0x20d: {  	v32 =	vperm.xlane v18, v6;
	v21 =	vadd.s32 v4, v31  }
0x20e: {  	[tilespmem:s12], [sflag:$0x1] =	stream.indirect_vreg.gather [hbm4b:s20+s4], $0x80, v19, vm0, $0xb8;
	[tilespmem:$0x1F000] =	vst v63  }
0x20f: {  	v33 =	vperm.xlane v18, v7;
	v19 =	vadd.s32 v4, v32  }
0x210: {  	[tilespmem:s13], [sflag:$0x1] =	stream.indirect_vreg.gather [hbm4b:s20+s4], $0x80, v20, vm0, $0xb8;
	[tilespmem:$0x1F000] =	vst v63  }
0x211: {  	v35 =	vperm.xlane v18, v8;
	v34 =	vadd.s32 v4, v33  }
0x212: {  	[tilespmem:s14], [sflag:$0x1] =	stream.indirect_vreg.gather [hbm4b:s20+s4], $0x80, v21, vm0, $0xb8;
	[tilespmem:$0x1F000] =	vst v63  }
0x213: {  	v37 =	vperm.xlane v18, v9;
	v36 =	vadd.s32 v4, v35  }
0x214: {  	[tilespmem:s15], [sflag:$0x1] =	stream.indirect_vreg.gather [hbm4b:s20+s4], $0x80, v19, vm0, $0xb8;
	[tilespmem:$0x1F000] =	vst v63  }
0x215: {  	v38 =	vperm.xlane v18, v1;
	v19 =	vadd.s32 v4, v37  }
0x216: {  	[tilespmem:s16], [sflag:$0x1] =	stream.indirect_vreg.gather [hbm4b:s20+s4], $0x80, v34, vm0, $0xb8;
	[tilespmem:$0x1F000] =	vst v63  }
0x217: {  	v40 =	vperm.xlane v18, v10;
	v39 =	vadd.s32 v4, v38  }
0x218: {  	[tilespmem:s28], [sflag:$0x1] =	stream.indirect_vreg.gather [hbm4b:s20+s4], $0x80, v36, vm0, $0xb8;
	[tilespmem:$0x1F000] =	vst v63  }
0x219: {  	v42 =	vperm.xlane v18, v11;
	v41 =	vadd.s32 v4, v40  }
0x21a: {  	[tilespmem:s5], [sflag:$0x1] =	stream.indirect_vreg.gather [hbm4b:s20+s4], $0x80, v19, vm0, $0xb8;
	[tilespmem:$0x1F000] =	vst v63  }
0x21b: {  	s24 =	simm.s32 $0x1BB80;
	v43 =	vperm.xlane v18, v12;
	v19 =	vadd.s32 v4, v42  }
0x21c: {  	[tilespmem:s24], [sflag:$0x1] =	stream.indirect_vreg.gather [hbm4b:s20+s4], $0x80, v39, vm0, $0xb8;
	[tilespmem:$0x1F000] =	vst v63  }
0x21d: {  	v45 =	vperm.xlane v18, v13;
	v44 =	vadd.s32 v4, v43;
	s24 =	simm.s32 $0x1BC00  }
0x21e: {  	[tilespmem:s24], [sflag:$0x1] =	stream.indirect_vreg.gather [hbm4b:s20+s4], $0x80, v41, vm0, $0xb8;
	[tilespmem:$0x1F000] =	vst v63  }
0x21f: {  	v47 =	vperm.xlane v18, v14;
	v46 =	vadd.s32 v4, v45;
	s24 =	simm.s32 $0x1BC80  }
0x220: {  	[tilespmem:s24], [sflag:$0x1] =	stream.indirect_vreg.gather [hbm4b:s20+s4], $0x80, v19, vm0, $0xb8;
	[tilespmem:$0x1F000] =	vst v63  }
0x221: {  	v48 =	vperm.xlane v18, v15;
	v19 =	vadd.s32 v4, v47;
	s24 =	simm.s32 $0x1BD00  }
0x222: {  	[tilespmem:s24], [sflag:$0x1] =	stream.indirect_vreg.gather [hbm4b:s20+s4], $0x80, v44, vm0, $0xb8;
	[tilespmem:$0x1F000] =	vst v63  }
0x223: {  	v50 =	vperm.xlane v18, v16;
	v49 =	vadd.s32 v4, v48;
	s24 =	simm.s32 $0x1BD80  }
0x224: {  	[tilespmem:s24], [sflag:$0x1] =	stream.indirect_vreg.gather [hbm4b:s20+s4], $0x80, v46, vm0, $0xb8;
	[tilespmem:$0x1F000] =	vst v63  }
0x225: {  	v18 =	vperm.xlane v18, v17;
	v51 =	vadd.s32 v4, v50;
	s24 =	simm.s32 $0x1BE00  }
0x226: {  	[tilespmem:s24], [sflag:$0x1] =	stream.indirect_vreg.gather [hbm4b:s20+s4], $0x80, v19, vm0, $0xb8;
	[tilespmem:$0x1F000] =	vst v63  }
0x227: {  	v18 =	vadd.s32 v4, v18;
	s24 =	simm.s32 $0x1BE80  }
0x228: {  	[tilespmem:s24], [sflag:$0x1] =	stream.indirect_vreg.gather [hbm4b:s20+s4], $0x80, v49, vm0, $0xb8;
	[tilespmem:$0x1F000] =	vst v63  }
0x229: {  	s24 =	simm.s32 $0x1BF00  }
0x22a: {  	[tilespmem:s24], [sflag:$0x1] =	stream.indirect_vreg.gather [hbm4b:s20+s4], $0x80, v51, vm0, $0xb8;
	[tilespmem:$0x1F000] =	vst v63  }
0x22b: {  	s24 =	simm.s32 $0x1BF80  }
0x22c: {  	[tilespmem:s24], [sflag:$0x1] =	stream.indirect_vreg.gather [hbm4b:s20+s4], $0x80, v18, vm0, $0xb8;
	[tilespmem:$0x1F000] =	vst v63  }
0x22d: {  	v18 =	vld [tilespmem:s30+$0x16020];
	_ =	sdelay $0x4  }
0x22e: {  	v19 =	vshll.u32 v18, $0x1  }
0x22f: {  	v18 =	vand.u32 $0x7, v18;
	v19 =	vand.u32 $0xFFFFFFF0, v19  }
0x230: {  	v18 =	vor.u32 v18, v19  }
0x231: {  	v19 =	vperm.xlane v18, v3;
	_ =	sdelay $0x1  }
0x232: {  	v52 =	vperm.xlane v18, v2;
	v19 =	vadd.s32 v4, v19;
	_ =	sdelay $0x1  }
0x233: {  	v53 =	vperm.xlane v18, v5;
	v20 =	vadd.s32 v4, v52;
	_ =	sdelay $0x1  }
0x234: {  	s24 =	simm.s32 $0x1C000;
	v54 =	vperm.xlane v18, v6;
	v21 =	vadd.s32 v4, v53  }
0x235: {  	[tilespmem:s24], [sflag:$0x1] =	stream.indirect_vreg.gather [hbm4b:s20+s4], $0x80, v19, vm0, $0xb8;
	[tilespmem:$0x1F000] =	vst v63  }
0x236: {  	v55 =	vperm.xlane v18, v7;
	v19 =	vadd.s32 v4, v54;
	s24 =	simm.s32 $0x1C080  }
0x237: {  	[tilespmem:s24], [sflag:$0x1] =	stream.indirect_vreg.gather [hbm4b:s20+s4], $0x80, v20, vm0, $0xb8;
	[tilespmem:$0x1F000] =	vst v63  }
0x238: {  	v57 =	vperm.xlane v18, v8;
	v56 =	vadd.s32 v4, v55;
	s24 =	simm.s32 $0x1C100  }
0x239: {  	[tilespmem:s24], [sflag:$0x1] =	stream.indirect_vreg.gather [hbm4b:s20+s4], $0x80, v21, vm0, $0xb8;
	[tilespmem:$0x1F000] =	vst v63  }
0x23a: {  	v59 =	vperm.xlane v18, v9;
	v58 =	vadd.s32 v4, v57;
	s24 =	simm.s32 $0x1C180  }
0x23b: {  	[tilespmem:s24], [sflag:$0x1] =	stream.indirect_vreg.gather [hbm4b:s20+s4], $0x80, v19, vm0, $0xb8;
	[tilespmem:$0x1F000] =	vst v63  }
0x23c: {  	v60 =	vperm.xlane v18, v1;
	v19 =	vadd.s32 v4, v59;
	s24 =	simm.s32 $0x1C200  }
0x23d: {  	[tilespmem:s24], [sflag:$0x1] =	stream.indirect_vreg.gather [hbm4b:s20+s4], $0x80, v56, vm0, $0xb8;
	[tilespmem:$0x1F000] =	vst v63  }
0x23e: {  	v62 =	vperm.xlane v18, v10;
	v61 =	vadd.s32 v4, v60;
	s24 =	simm.s32 $0x1C280  }
0x23f: {  	[tilespmem:s24], [sflag:$0x1] =	stream.indirect_vreg.gather [hbm4b:s20+s4], $0x80, v58, vm0, $0xb8;
	[tilespmem:$0x1F000] =	vst v63  }
0x240: {  	v24 =	vperm.xlane v18, v11;
	v63 =	vadd.s32 v4, v62;
	s24 =	simm.s32 $0x1C300  }
0x241: {  	[tilespmem:s24], [sflag:$0x1] =	stream.indirect_vreg.gather [hbm4b:s20+s4], $0x80, v19, vm0, $0xb8;
	[tilespmem:$0x1F000] =	vst v63  }
0x242: {  	v25 =	vperm.xlane v18, v12;
	v19 =	vadd.s32 v4, v24;
	s24 =	simm.s32 $0x1C380  }
0x243: {  	[tilespmem:s24], [sflag:$0x1] =	stream.indirect_vreg.gather [hbm4b:s20+s4], $0x80, v61, vm0, $0xb8;
	[tilespmem:$0x1F000] =	vst v63  }
0x244: {  	v27 =	vperm.xlane v18, v13;
	v26 =	vadd.s32 v4, v25;
	s24 =	simm.s32 $0x1C400  }
0x245: {  	[tilespmem:s24], [sflag:$0x1] =	stream.indirect_vreg.gather [hbm4b:s20+s4], $0x80, v63, vm0, $0xb8;
	[tilespmem:$0x1F000] =	vst v63  }
0x246: {  	v29 =	vperm.xlane v18, v14;
	v28 =	vadd.s32 v4, v27;
	s24 =	simm.s32 $0x1C480  }
0x247: {  	[tilespmem:s24], [sflag:$0x1] =	stream.indirect_vreg.gather [hbm4b:s20+s4], $0x80, v19, vm0, $0xb8;
	[tilespmem:$0x1F000] =	vst v63  }
0x248: {  	v30 =	vperm.xlane v18, v15;
	v19 =	vadd.s32 v4, v29;
	s24 =	simm.s32 $0x1C500  }
0x249: {  	[tilespmem:s24], [sflag:$0x1] =	stream.indirect_vreg.gather [hbm4b:s20+s4], $0x80, v26, vm0, $0xb8;
	[tilespmem:$0x1F000] =	vst v63  }
0x24a: {  	v32 =	vperm.xlane v18, v16;
	v31 =	vadd.s32 v4, v30;
	s24 =	simm.s32 $0x1C580  }
0x24b: {  	[tilespmem:s24], [sflag:$0x1] =	stream.indirect_vreg.gather [hbm4b:s20+s4], $0x80, v28, vm0, $0xb8;
	[tilespmem:$0x1F000] =	vst v63  }
0x24c: {  	v18 =	vperm.xlane v18, v17;
	v33 =	vadd.s32 v4, v32;
	s24 =	simm.s32 $0x1C600  }
0x24d: {  	[tilespmem:s24], [sflag:$0x1] =	stream.indirect_vreg.gather [hbm4b:s20+s4], $0x80, v19, vm0, $0xb8;
	[tilespmem:$0x1F000] =	vst v63  }
0x24e: {  	v18 =	vadd.s32 v4, v18;
	s24 =	simm.s32 $0x1C680  }
0x24f: {  	[tilespmem:s24], [sflag:$0x1] =	stream.indirect_vreg.gather [hbm4b:s20+s4], $0x80, v31, vm0, $0xb8;
	[tilespmem:$0x1F000] =	vst v63  }
0x250: {  	s24 =	simm.s32 $0x1C700  }
0x251: {  	[tilespmem:s24], [sflag:$0x1] =	stream.indirect_vreg.gather [hbm4b:s20+s4], $0x80, v33, vm0, $0xb8;
	[tilespmem:$0x1F000] =	vst v63  }
0x252: {  	s24 =	simm.s32 $0x1C780  }
0x253: {  	[tilespmem:s24], [sflag:$0x1] =	stream.indirect_vreg.gather [hbm4b:s20+s4], $0x80, v18, vm0, $0xb8;
	[tilespmem:$0x1F000] =	vst v63  }
0x254: {  	v18 =	vld [tilespmem:s30+$0x16030];
	_ =	sdelay $0x4  }
0x255: {  	v19 =	vshll.u32 v18, $0x1  }
0x256: {  	v18 =	vand.u32 $0x7, v18;
	v19 =	vand.u32 $0xFFFFFFF0, v19  }
0x257: {  	v18 =	vor.u32 v18, v19  }
0x258: {  	v19 =	vperm.xlane v18, v3;
	_ =	sdelay $0x1  }
0x259: {  	v34 =	vperm.xlane v18, v2;
	v19 =	vadd.s32 v4, v19;
	_ =	sdelay $0x1  }
0x25a: {  	v35 =	vperm.xlane v18, v5;
	v20 =	vadd.s32 v4, v34;
	_ =	sdelay $0x1  }
0x25b: {  	s24 =	simm.s32 $0x1C800;
	v36 =	vperm.xlane v18, v6;
	v21 =	vadd.s32 v4, v35  }
0x25c: {  	[tilespmem:s24], [sflag:$0x1] =	stream.indirect_vreg.gather [hbm4b:s20+s4], $0x80, v19, vm0, $0xb8;
	[tilespmem:$0x1F000] =	vst v63  }
0x25d: {  	v37 =	vperm.xlane v18, v7;
	v19 =	vadd.s32 v4, v36;
	s24 =	simm.s32 $0x1C880  }
0x25e: {  	[tilespmem:s24], [sflag:$0x1] =	stream.indirect_vreg.gather [hbm4b:s20+s4], $0x80, v20, vm0, $0xb8;
	[tilespmem:$0x1F000] =	vst v63  }
0x25f: {  	v39 =	vperm.xlane v18, v8;
	v38 =	vadd.s32 v4, v37;
	s24 =	simm.s32 $0x1C900  }
0x260: {  	[tilespmem:s24], [sflag:$0x1] =	stream.indirect_vreg.gather [hbm4b:s20+s4], $0x80, v21, vm0, $0xb8;
	[tilespmem:$0x1F000] =	vst v63  }
0x261: {  	v41 =	vperm.xlane v18, v9;
	v40 =	vadd.s32 v4, v39;
	s24 =	simm.s32 $0x1C980  }
0x262: {  	[tilespmem:s24], [sflag:$0x1] =	stream.indirect_vreg.gather [hbm4b:s20+s4], $0x80, v19, vm0, $0xb8;
	[tilespmem:$0x1F000] =	vst v63  }
0x263: {  	v42 =	vperm.xlane v18, v1;
	v19 =	vadd.s32 v4, v41;
	s24 =	simm.s32 $0x1CA00  }
0x264: {  	[tilespmem:s24], [sflag:$0x1] =	stream.indirect_vreg.gather [hbm4b:s20+s4], $0x80, v38, vm0, $0xb8;
	[tilespmem:$0x1F000] =	vst v63  }
0x265: {  	v44 =	vperm.xlane v18, v10;
	v43 =	vadd.s32 v4, v42;
	s24 =	simm.s32 $0x1CA80  }
0x266: {  	[tilespmem:s24], [sflag:$0x1] =	stream.indirect_vreg.gather [hbm4b:s20+s4], $0x80, v40, vm0, $0xb8;
	[tilespmem:$0x1F000] =	vst v63  }
0x267: {  	v46 =	vperm.xlane v18, v11;
	v45 =	vadd.s32 v4, v44;
	s24 =	simm.s32 $0x1CB00  }
0x268: {  	[tilespmem:s24], [sflag:$0x1] =	stream.indirect_vreg.gather [hbm4b:s20+s4], $0x80, v19, vm0, $0xb8;
	[tilespmem:$0x1F000] =	vst v63  }
0x269: {  	v47 =	vperm.xlane v18, v12;
	v19 =	vadd.s32 v4, v46;
	s24 =	simm.s32 $0x1CB80  }
0x26a: {  	[tilespmem:s24], [sflag:$0x1] =	stream.indirect_vreg.gather [hbm4b:s20+s4], $0x80, v43, vm0, $0xb8;
	[tilespmem:$0x1F000] =	vst v63  }
0x26b: {  	v49 =	vperm.xlane v18, v13;
	v48 =	vadd.s32 v4, v47;
	s24 =	simm.s32 $0x1CC00  }
0x26c: {  	[tilespmem:s24], [sflag:$0x1] =	stream.indirect_vreg.gather [hbm4b:s20+s4], $0x80, v45, vm0, $0xb8;
	[tilespmem:$0x1F000] =	vst v63  }
0x26d: {  	v51 =	vperm.xlane v18, v14;
	v50 =	vadd.s32 v4, v49;
	s24 =	simm.s32 $0x1CC80  }
0x26e: {  	[tilespmem:s24], [sflag:$0x1] =	stream.indirect_vreg.gather [hbm4b:s20+s4], $0x80, v19, vm0, $0xb8;
	[tilespmem:$0x1F000] =	vst v63  }
0x26f: {  	v52 =	vperm.xlane v18, v15;
	v19 =	vadd.s32 v4, v51;
	s24 =	simm.s32 $0x1CD00  }
0x270: {  	[tilespmem:s24], [sflag:$0x1] =	stream.indirect_vreg.gather [hbm4b:s20+s4], $0x80, v48, vm0, $0xb8;
	[tilespmem:$0x1F000] =	vst v63  }
0x271: {  	v54 =	vperm.xlane v18, v16;
	v53 =	vadd.s32 v4, v52;
	s24 =	simm.s32 $0x1CD80  }
0x272: {  	[tilespmem:s24], [sflag:$0x1] =	stream.indirect_vreg.gather [hbm4b:s20+s4], $0x80, v50, vm0, $0xb8;
	[tilespmem:$0x1F000] =	vst v63  }
0x273: {  	v18 =	vperm.xlane v18, v17;
	v55 =	vadd.s32 v4, v54;
	s24 =	simm.s32 $0x1CE00  }
0x274: {  	[tilespmem:s24], [sflag:$0x1] =	stream.indirect_vreg.gather [hbm4b:s20+s4], $0x80, v19, vm0, $0xb8;
	[tilespmem:$0x1F000] =	vst v63  }
0x275: {  	v18 =	vadd.s32 v4, v18;
	s24 =	simm.s32 $0x1CE80  }
0x276: {  	[tilespmem:s24], [sflag:$0x1] =	stream.indirect_vreg.gather [hbm4b:s20+s4], $0x80, v53, vm0, $0xb8;
	[tilespmem:$0x1F000] =	vst v63  }
0x277: {  	s24 =	simm.s32 $0x1CF00  }
0x278: {  	[tilespmem:s24], [sflag:$0x1] =	stream.indirect_vreg.gather [hbm4b:s20+s4], $0x80, v55, vm0, $0xb8;
	[tilespmem:$0x1F000] =	vst v63  }
0x279: {  	s24 =	simm.s32 $0x1CF80  }
0x27a: {  	[tilespmem:s24], [sflag:$0x1] =	stream.indirect_vreg.gather [hbm4b:s20+s4], $0x80, v18, vm0, $0xb8;
	[tilespmem:$0x1F000] =	vst v63  }
0x27b: {  	v18 =	vld [tilespmem:s30+$0x16040];
	_ =	sdelay $0x4  }
0x27c: {  	v19 =	vshll.u32 v18, $0x1  }
0x27d: {  	v18 =	vand.u32 $0x7, v18;
	v19 =	vand.u32 $0xFFFFFFF0, v19  }
0x27e: {  	v18 =	vor.u32 v18, v19  }
0x27f: {  	v19 =	vperm.xlane v18, v3;
	_ =	sdelay $0x1  }
0x280: {  	v56 =	vperm.xlane v18, v2;
	v19 =	vadd.s32 v4, v19;
	_ =	sdelay $0x1  }
0x281: {  	v57 =	vperm.xlane v18, v5;
	v20 =	vadd.s32 v4, v56;
	_ =	sdelay $0x1  }
0x282: {  	s24 =	simm.s32 $0x1D000;
	v58 =	vperm.xlane v18, v6;
	v21 =	vadd.s32 v4, v57  }
0x283: {  	[tilespmem:s24], [sflag:$0x1] =	stream.indirect_vreg.gather [hbm4b:s20+s4], $0x80, v19, vm0, $0xb8;
	[tilespmem:$0x1F000] =	vst v63  }
0x284: {  	v59 =	vperm.xlane v18, v7;
	v19 =	vadd.s32 v4, v58;
	s24 =	simm.s32 $0x1D080  }
0x285: {  	[tilespmem:s24], [sflag:$0x1] =	stream.indirect_vreg.gather [hbm4b:s20+s4], $0x80, v20, vm0, $0xb8;
	[tilespmem:$0x1F000] =	vst v63  }
0x286: {  	v61 =	vperm.xlane v18, v8;
	v60 =	vadd.s32 v4, v59;
	s24 =	simm.s32 $0x1D100  }
0x287: {  	[tilespmem:s24], [sflag:$0x1] =	stream.indirect_vreg.gather [hbm4b:s20+s4], $0x80, v21, vm0, $0xb8;
	[tilespmem:$0x1F000] =	vst v63  }
0x288: {  	v63 =	vperm.xlane v18, v9;
	v62 =	vadd.s32 v4, v61;
	s24 =	simm.s32 $0x1D180  }
0x289: {  	[tilespmem:s24], [sflag:$0x1] =	stream.indirect_vreg.gather [hbm4b:s20+s4], $0x80, v19, vm0, $0xb8;
	[tilespmem:$0x1F000] =	vst v63  }
0x28a: {  	v24 =	vperm.xlane v18, v1;
	v19 =	vadd.s32 v4, v63;
	s24 =	simm.s32 $0x1D200  }
0x28b: {  	[tilespmem:s24], [sflag:$0x1] =	stream.indirect_vreg.gather [hbm4b:s20+s4], $0x80, v60, vm0, $0xb8;
	[tilespmem:$0x1F000] =	vst v63  }
0x28c: {  	v26 =	vperm.xlane v18, v10;
	v25 =	vadd.s32 v4, v24;
	s24 =	simm.s32 $0x1D280  }
0x28d: {  	[tilespmem:s24], [sflag:$0x1] =	stream.indirect_vreg.gather [hbm4b:s20+s4], $0x80, v62, vm0, $0xb8;
	[tilespmem:$0x1F000] =	vst v63  }
0x28e: {  	v28 =	vperm.xlane v18, v11;
	v27 =	vadd.s32 v4, v26;
	s24 =	simm.s32 $0x1D300  }
0x28f: {  	[tilespmem:s24], [sflag:$0x1] =	stream.indirect_vreg.gather [hbm4b:s20+s4], $0x80, v19, vm0, $0xb8;
	[tilespmem:$0x1F000] =	vst v63  }
0x290: {  	v29 =	vperm.xlane v18, v12;
	v19 =	vadd.s32 v4, v28;
	s24 =	simm.s32 $0x1D380  }
0x291: {  	[tilespmem:s24], [sflag:$0x1] =	stream.indirect_vreg.gather [hbm4b:s20+s4], $0x80, v25, vm0, $0xb8;
	[tilespmem:$0x1F000] =	vst v63  }
0x292: {  	v31 =	vperm.xlane v18, v13;
	v30 =	vadd.s32 v4, v29;
	s24 =	simm.s32 $0x1D400  }
0x293: {  	[tilespmem:s24], [sflag:$0x1] =	stream.indirect_vreg.gather [hbm4b:s20+s4], $0x80, v27, vm0, $0xb8;
	[tilespmem:$0x1F000] =	vst v63  }
0x294: {  	v33 =	vperm.xlane v18, v14;
	v32 =	vadd.s32 v4, v31;
	s24 =	simm.s32 $0x1D480  }
0x295: {  	[tilespmem:s24], [sflag:$0x1] =	stream.indirect_vreg.gather [hbm4b:s20+s4], $0x80, v19, vm0, $0xb8;
	[tilespmem:$0x1F000] =	vst v63  }
0x296: {  	v34 =	vperm.xlane v18, v15;
	v19 =	vadd.s32 v4, v33;
	s24 =	simm.s32 $0x1D500  }
0x297: {  	[tilespmem:s24], [sflag:$0x1] =	stream.indirect_vreg.gather [hbm4b:s20+s4], $0x80, v30, vm0, $0xb8;
	[tilespmem:$0x1F000] =	vst v63  }
0x298: {  	v36 =	vperm.xlane v18, v16;
	v35 =	vadd.s32 v4, v34;
	s24 =	simm.s32 $0x1D580  }
0x299: {  	[tilespmem:s24], [sflag:$0x1] =	stream.indirect_vreg.gather [hbm4b:s20+s4], $0x80, v32, vm0, $0xb8;
	[tilespmem:$0x1F000] =	vst v63  }
0x29a: {  	v18 =	vperm.xlane v18, v17;
	v37 =	vadd.s32 v4, v36;
	s24 =	simm.s32 $0x1D600  }
0x29b: {  	[tilespmem:s24], [sflag:$0x1] =	stream.indirect_vreg.gather [hbm4b:s20+s4], $0x80, v19, vm0, $0xb8;
	[tilespmem:$0x1F000] =	vst v63  }
0x29c: {  	v18 =	vadd.s32 v4, v18;
	s24 =	simm.s32 $0x1D680  }
0x29d: {  	[tilespmem:s24], [sflag:$0x1] =	stream.indirect_vreg.gather [hbm4b:s20+s4], $0x80, v35, vm0, $0xb8;
	[tilespmem:$0x1F000] =	vst v63  }
0x29e: {  	s24 =	simm.s32 $0x1D700  }
0x29f: {  	[tilespmem:s24], [sflag:$0x1] =	stream.indirect_vreg.gather [hbm4b:s20+s4], $0x80, v37, vm0, $0xb8;
	[tilespmem:$0x1F000] =	vst v63  }
0x2a0: {  	s24 =	simm.s32 $0x1D780  }
0x2a1: {  	[tilespmem:s24], [sflag:$0x1] =	stream.indirect_vreg.gather [hbm4b:s20+s4], $0x80, v18, vm0, $0xb8;
	[tilespmem:$0x1F000] =	vst v63  }
0x2a2: {  	v18 =	vld [tilespmem:s30+$0x16050];
	_ =	sdelay $0x4  }
0x2a3: {  	v19 =	vshll.u32 v18, $0x1  }
0x2a4: {  	v18 =	vand.u32 $0x7, v18;
	v19 =	vand.u32 $0xFFFFFFF0, v19  }
0x2a5: {  	v18 =	vor.u32 v18, v19  }
0x2a6: {  	v19 =	vperm.xlane v18, v3;
	_ =	sdelay $0x1  }
0x2a7: {  	v38 =	vperm.xlane v18, v2;
	v19 =	vadd.s32 v4, v19;
	_ =	sdelay $0x1  }
0x2a8: {  	v39 =	vperm.xlane v18, v5;
	v20 =	vadd.s32 v4, v38;
	_ =	sdelay $0x1  }
0x2a9: {  	s24 =	simm.s32 $0x1D800;
	v40 =	vperm.xlane v18, v6;
	v21 =	vadd.s32 v4, v39  }
0x2aa: {  	[tilespmem:s24], [sflag:$0x1] =	stream.indirect_vreg.gather [hbm4b:s20+s4], $0x80, v19, vm0, $0xb8;
	[tilespmem:$0x1F000] =	vst v63  }
0x2ab: {  	v41 =	vperm.xlane v18, v7;
	v19 =	vadd.s32 v4, v40;
	s24 =	simm.s32 $0x1D880  }
0x2ac: {  	[tilespmem:s24], [sflag:$0x1] =	stream.indirect_vreg.gather [hbm4b:s20+s4], $0x80, v20, vm0, $0xb8;
	[tilespmem:$0x1F000] =	vst v63  }
0x2ad: {  	v43 =	vperm.xlane v18, v8;
	v42 =	vadd.s32 v4, v41;
	s24 =	simm.s32 $0x1D900  }
0x2ae: {  	[tilespmem:s24], [sflag:$0x1] =	stream.indirect_vreg.gather [hbm4b:s20+s4], $0x80, v21, vm0, $0xb8;
	[tilespmem:$0x1F000] =	vst v63  }
0x2af: {  	v45 =	vperm.xlane v18, v9;
	v44 =	vadd.s32 v4, v43;
	s24 =	simm.s32 $0x1D980  }
0x2b0: {  	[tilespmem:s24], [sflag:$0x1] =	stream.indirect_vreg.gather [hbm4b:s20+s4], $0x80, v19, vm0, $0xb8;
	[tilespmem:$0x1F000] =	vst v63  }
0x2b1: {  	v46 =	vperm.xlane v18, v1;
	v19 =	vadd.s32 v4, v45;
	s24 =	simm.s32 $0x1DA00  }
0x2b2: {  	[tilespmem:s24], [sflag:$0x1] =	stream.indirect_vreg.gather [hbm4b:s20+s4], $0x80, v42, vm0, $0xb8;
	[tilespmem:$0x1F000] =	vst v63  }
0x2b3: {  	v48 =	vperm.xlane v18, v10;
	v47 =	vadd.s32 v4, v46;
	s24 =	simm.s32 $0x1DA80  }
0x2b4: {  	[tilespmem:s24], [sflag:$0x1] =	stream.indirect_vreg.gather [hbm4b:s20+s4], $0x80, v44, vm0, $0xb8;
	[tilespmem:$0x1F000] =	vst v63  }
0x2b5: {  	v50 =	vperm.xlane v18, v11;
	v49 =	vadd.s32 v4, v48;
	s24 =	simm.s32 $0x1DB00  }
0x2b6: {  	[tilespmem:s24], [sflag:$0x1] =	stream.indirect_vreg.gather [hbm4b:s20+s4], $0x80, v19, vm0, $0xb8;
	[tilespmem:$0x1F000] =	vst v63  }
0x2b7: {  	v51 =	vperm.xlane v18, v12;
	v19 =	vadd.s32 v4, v50;
	s24 =	simm.s32 $0x1DB80  }
0x2b8: {  	[tilespmem:s24], [sflag:$0x1] =	stream.indirect_vreg.gather [hbm4b:s20+s4], $0x80, v47, vm0, $0xb8;
	[tilespmem:$0x1F000] =	vst v63  }
0x2b9: {  	v53 =	vperm.xlane v18, v13;
	v52 =	vadd.s32 v4, v51;
	s24 =	simm.s32 $0x1DC00  }
0x2ba: {  	[tilespmem:s24], [sflag:$0x1] =	stream.indirect_vreg.gather [hbm4b:s20+s4], $0x80, v49, vm0, $0xb8;
	[tilespmem:$0x1F000] =	vst v63  }
0x2bb: {  	v55 =	vperm.xlane v18, v14;
	v54 =	vadd.s32 v4, v53;
	s24 =	simm.s32 $0x1DC80  }
0x2bc: {  	[tilespmem:s24], [sflag:$0x1] =	stream.indirect_vreg.gather [hbm4b:s20+s4], $0x80, v19, vm0, $0xb8;
	[tilespmem:$0x1F000] =	vst v63  }
0x2bd: {  	v56 =	vperm.xlane v18, v15;
	v19 =	vadd.s32 v4, v55;
	s24 =	simm.s32 $0x1DD00  }
0x2be: {  	[tilespmem:s24], [sflag:$0x1] =	stream.indirect_vreg.gather [hbm4b:s20+s4], $0x80, v52, vm0, $0xb8;
	[tilespmem:$0x1F000] =	vst v63  }
0x2bf: {  	v58 =	vperm.xlane v18, v16;
	v57 =	vadd.s32 v4, v56;
	s24 =	simm.s32 $0x1DD80  }
0x2c0: {  	[tilespmem:s24], [sflag:$0x1] =	stream.indirect_vreg.gather [hbm4b:s20+s4], $0x80, v54, vm0, $0xb8;
	[tilespmem:$0x1F000] =	vst v63  }
0x2c1: {  	v18 =	vperm.xlane v18, v17;
	v59 =	vadd.s32 v4, v58;
	s24 =	simm.s32 $0x1DE00  }
0x2c2: {  	[tilespmem:s24], [sflag:$0x1] =	stream.indirect_vreg.gather [hbm4b:s20+s4], $0x80, v19, vm0, $0xb8;
	[tilespmem:$0x1F000] =	vst v63  }
0x2c3: {  	v18 =	vadd.s32 v4, v18;
	s24 =	simm.s32 $0x1DE80  }
0x2c4: {  	[tilespmem:s24], [sflag:$0x1] =	stream.indirect_vreg.gather [hbm4b:s20+s4], $0x80, v57, vm0, $0xb8;
	[tilespmem:$0x1F000] =	vst v63  }
0x2c5: {  	s24 =	simm.s32 $0x1DF00  }
0x2c6: {  	[tilespmem:s24], [sflag:$0x1] =	stream.indirect_vreg.gather [hbm4b:s20+s4], $0x80, v59, vm0, $0xb8;
	[tilespmem:$0x1F000] =	vst v63  }
0x2c7: {  	s24 =	simm.s32 $0x1DF80  }
0x2c8: {  	[tilespmem:s24], [sflag:$0x1] =	stream.indirect_vreg.gather [hbm4b:s20+s4], $0x80, v18, vm0, $0xb8;
	[tilespmem:$0x1F000] =	vst v63  }
0x2c9: {  	v18 =	vld [tilespmem:s30+$0x16060];
	_ =	sdelay $0x4  }
0x2ca: {  	v19 =	vshll.u32 v18, $0x1  }
0x2cb: {  	v18 =	vand.u32 $0x7, v18;
	v19 =	vand.u32 $0xFFFFFFF0, v19  }
0x2cc: {  	v18 =	vor.u32 v18, v19  }
0x2cd: {  	v19 =	vperm.xlane v18, v3;
	_ =	sdelay $0x1  }
0x2ce: {  	v60 =	vperm.xlane v18, v2;
	v19 =	vadd.s32 v4, v19;
	_ =	sdelay $0x1  }
0x2cf: {  	v61 =	vperm.xlane v18, v5;
	v20 =	vadd.s32 v4, v60;
	_ =	sdelay $0x1  }
0x2d0: {  	s24 =	simm.s32 $0x1E000;
	v62 =	vperm.xlane v18, v6;
	v21 =	vadd.s32 v4, v61  }
0x2d1: {  	[tilespmem:s24], [sflag:$0x1] =	stream.indirect_vreg.gather [hbm4b:s20+s4], $0x80, v19, vm0, $0xb8;
	[tilespmem:$0x1F000] =	vst v63  }
0x2d2: {  	v63 =	vperm.xlane v18, v7;
	v19 =	vadd.s32 v4, v62;
	s24 =	simm.s32 $0x1E080  }
0x2d3: {  	[tilespmem:s24], [sflag:$0x1] =	stream.indirect_vreg.gather [hbm4b:s20+s4], $0x80, v20, vm0, $0xb8;
	[tilespmem:$0x1F000] =	vst v63  }
0x2d4: {  	v25 =	vperm.xlane v18, v8;
	v24 =	vadd.s32 v4, v63;
	s24 =	simm.s32 $0x1E100  }
0x2d5: {  	[tilespmem:s24], [sflag:$0x1] =	stream.indirect_vreg.gather [hbm4b:s20+s4], $0x80, v21, vm0, $0xb8;
	[tilespmem:$0x1F000] =	vst v63  }
0x2d6: {  	v27 =	vperm.xlane v18, v9;
	v26 =	vadd.s32 v4, v25;
	s24 =	simm.s32 $0x1E180  }
0x2d7: {  	[tilespmem:s24], [sflag:$0x1] =	stream.indirect_vreg.gather [hbm4b:s20+s4], $0x80, v19, vm0, $0xb8;
	[tilespmem:$0x1F000] =	vst v63  }
0x2d8: {  	v28 =	vperm.xlane v18, v1;
	v19 =	vadd.s32 v4, v27;
	s24 =	simm.s32 $0x1E200  }
0x2d9: {  	[tilespmem:s24], [sflag:$0x1] =	stream.indirect_vreg.gather [hbm4b:s20+s4], $0x80, v24, vm0, $0xb8;
	[tilespmem:$0x1F000] =	vst v63  }
0x2da: {  	v30 =	vperm.xlane v18, v10;
	v29 =	vadd.s32 v4, v28;
	s24 =	simm.s32 $0x1E280  }
0x2db: {  	[tilespmem:s24], [sflag:$0x1] =	stream.indirect_vreg.gather [hbm4b:s20+s4], $0x80, v26, vm0, $0xb8;
	[tilespmem:$0x1F000] =	vst v63  }
0x2dc: {  	v32 =	vperm.xlane v18, v11;
	v31 =	vadd.s32 v4, v30;
	s24 =	simm.s32 $0x1E300  }
0x2dd: {  	[tilespmem:s24], [sflag:$0x1] =	stream.indirect_vreg.gather [hbm4b:s20+s4], $0x80, v19, vm0, $0xb8;
	[tilespmem:$0x1F000] =	vst v63  }
0x2de: {  	v33 =	vperm.xlane v18, v12;
	v19 =	vadd.s32 v4, v32;
	s24 =	simm.s32 $0x1E380  }
0x2df: {  	[tilespmem:s24], [sflag:$0x1] =	stream.indirect_vreg.gather [hbm4b:s20+s4], $0x80, v29, vm0, $0xb8;
	[tilespmem:$0x1F000] =	vst v63  }
0x2e0: {  	v35 =	vperm.xlane v18, v13;
	v34 =	vadd.s32 v4, v33;
	s24 =	simm.s32 $0x1E400  }
0x2e1: {  	[tilespmem:s24], [sflag:$0x1] =	stream.indirect_vreg.gather [hbm4b:s20+s4], $0x80, v31, vm0, $0xb8;
	[tilespmem:$0x1F000] =	vst v63  }
0x2e2: {  	v37 =	vperm.xlane v18, v14;
	v36 =	vadd.s32 v4, v35;
	s24 =	simm.s32 $0x1E480  }
0x2e3: {  	[tilespmem:s24], [sflag:$0x1] =	stream.indirect_vreg.gather [hbm4b:s20+s4], $0x80, v19, vm0, $0xb8;
	[tilespmem:$0x1F000] =	vst v63  }
0x2e4: {  	v38 =	vperm.xlane v18, v15;
	v19 =	vadd.s32 v4, v37;
	s24 =	simm.s32 $0x1E500  }
0x2e5: {  	[tilespmem:s24], [sflag:$0x1] =	stream.indirect_vreg.gather [hbm4b:s20+s4], $0x80, v34, vm0, $0xb8;
	[tilespmem:$0x1F000] =	vst v63  }
0x2e6: {  	v40 =	vperm.xlane v18, v16;
	v39 =	vadd.s32 v4, v38;
	s24 =	simm.s32 $0x1E580  }
0x2e7: {  	[tilespmem:s24], [sflag:$0x1] =	stream.indirect_vreg.gather [hbm4b:s20+s4], $0x80, v36, vm0, $0xb8;
	[tilespmem:$0x1F000] =	vst v63  }
0x2e8: {  	v18 =	vperm.xlane v18, v17;
	v41 =	vadd.s32 v4, v40;
	s24 =	simm.s32 $0x1E600  }
0x2e9: {  	[tilespmem:s24], [sflag:$0x1] =	stream.indirect_vreg.gather [hbm4b:s20+s4], $0x80, v19, vm0, $0xb8;
	[tilespmem:$0x1F000] =	vst v63  }
0x2ea: {  	v18 =	vadd.s32 v4, v18;
	s24 =	simm.s32 $0x1E680  }
0x2eb: {  	[tilespmem:s24], [sflag:$0x1] =	stream.indirect_vreg.gather [hbm4b:s20+s4], $0x80, v39, vm0, $0xb8;
	[tilespmem:$0x1F000] =	vst v63  }
0x2ec: {  	s24 =	simm.s32 $0x1E700  }
0x2ed: {  	[tilespmem:s24], [sflag:$0x1] =	stream.indirect_vreg.gather [hbm4b:s20+s4], $0x80, v41, vm0, $0xb8;
	[tilespmem:$0x1F000] =	vst v63  }
0x2ee: {  	s24 =	simm.s32 $0x1E780  }
0x2ef: {  	[tilespmem:s24], [sflag:$0x1] =	stream.indirect_vreg.gather [hbm4b:s20+s4], $0x80, v18, vm0, $0xb8;
	[tilespmem:$0x1F000] =	vst v63  }
0x2f0: {  	v18 =	vld [tilespmem:s30+$0x16070];
	_ =	sdelay $0x4  }
0x2f1: {  	v19 =	vshll.u32 v18, $0x1  }
0x2f2: {  	v18 =	vand.u32 $0x7, v18;
	v19 =	vand.u32 $0xFFFFFFF0, v19  }
0x2f3: {  	v18 =	vor.u32 v18, v19  }
0x2f4: {  	v19 =	vperm.xlane v18, v3;
	_ =	sdelay $0x1  }
0x2f5: {  	v42 =	vperm.xlane v18, v2;
	v19 =	vadd.s32 v4, v19;
	_ =	sdelay $0x1  }
0x2f6: {  	v43 =	vperm.xlane v18, v5;
	v20 =	vadd.s32 v4, v42;
	_ =	sdelay $0x1  }
0x2f7: {  	s24 =	simm.s32 $0x1E800;
	v44 =	vperm.xlane v18, v6;
	v21 =	vadd.s32 v4, v43  }
0x2f8: {  	[tilespmem:s24], [sflag:$0x1] =	stream.indirect_vreg.gather [hbm4b:s20+s4], $0x80, v19, vm0, $0xb8;
	[tilespmem:$0x1F000] =	vst v63  }
0x2f9: {  	v45 =	vperm.xlane v18, v7;
	v19 =	vadd.s32 v4, v44;
	s24 =	simm.s32 $0x1E880  }
0x2fa: {  	[tilespmem:s24], [sflag:$0x1] =	stream.indirect_vreg.gather [hbm4b:s20+s4], $0x80, v20, vm0, $0xb8;
	[tilespmem:$0x1F000] =	vst v63  }
0x2fb: {  	v47 =	vperm.xlane v18, v8;
	v46 =	vadd.s32 v4, v45;
	s24 =	simm.s32 $0x1E900  }
0x2fc: {  	[tilespmem:s24], [sflag:$0x1] =	stream.indirect_vreg.gather [hbm4b:s20+s4], $0x80, v21, vm0, $0xb8;
	[tilespmem:$0x1F000] =	vst v63  }
0x2fd: {  	v49 =	vperm.xlane v18, v9;
	v48 =	vadd.s32 v4, v47;
	s24 =	simm.s32 $0x1E980  }
0x2fe: {  	[tilespmem:s24], [sflag:$0x1] =	stream.indirect_vreg.gather [hbm4b:s20+s4], $0x80, v19, vm0, $0xb8;
	[tilespmem:$0x1F000] =	vst v63  }
0x2ff: {  	v50 =	vperm.xlane v18, v1;
	v19 =	vadd.s32 v4, v49;
	s24 =	simm.s32 $0x1EA00  }
0x300: {  	[tilespmem:s24], [sflag:$0x1] =	stream.indirect_vreg.gather [hbm4b:s20+s4], $0x80, v46, vm0, $0xb8;
	[tilespmem:$0x1F000] =	vst v63  }
0x301: {  	v52 =	vperm.xlane v18, v10;
	v51 =	vadd.s32 v4, v50;
	s24 =	simm.s32 $0x1EA80  }
0x302: {  	[tilespmem:s24], [sflag:$0x1] =	stream.indirect_vreg.gather [hbm4b:s20+s4], $0x80, v48, vm0, $0xb8;
	[tilespmem:$0x1F000] =	vst v63  }
0x303: {  	v54 =	vperm.xlane v18, v11;
	v53 =	vadd.s32 v4, v52;
	s24 =	simm.s32 $0x1EB00  }
0x304: {  	[tilespmem:s24], [sflag:$0x1] =	stream.indirect_vreg.gather [hbm4b:s20+s4], $0x80, v19, vm0, $0xb8;
	[tilespmem:$0x1F000] =	vst v63  }
0x305: {  	v55 =	vperm.xlane v18, v12;
	v19 =	vadd.s32 v4, v54;
	s24 =	simm.s32 $0x1EB80  }
0x306: {  	[tilespmem:s24], [sflag:$0x1] =	stream.indirect_vreg.gather [hbm4b:s20+s4], $0x80, v51, vm0, $0xb8;
	[tilespmem:$0x1F000] =	vst v63  }
0x307: {  	v57 =	vperm.xlane v18, v13;
	v56 =	vadd.s32 v4, v55;
	s24 =	simm.s32 $0x1EC00  }
0x308: {  	[tilespmem:s24], [sflag:$0x1] =	stream.indirect_vreg.gather [hbm4b:s20+s4], $0x80, v53, vm0, $0xb8;
	[tilespmem:$0x1F000] =	vst v63  }
0x309: {  	v59 =	vperm.xlane v18, v14;
	v58 =	vadd.s32 v4, v57;
	s24 =	simm.s32 $0x1EC80  }
0x30a: {  	[tilespmem:s24], [sflag:$0x1] =	stream.indirect_vreg.gather [hbm4b:s20+s4], $0x80, v19, vm0, $0xb8;
	[tilespmem:$0x1F000] =	vst v63  }
0x30b: {  	v60 =	vperm.xlane v18, v15;
	v19 =	vadd.s32 v4, v59;
	s24 =	simm.s32 $0x1ED00  }
0x30c: {  	[tilespmem:s24], [sflag:$0x1] =	stream.indirect_vreg.gather [hbm4b:s20+s4], $0x80, v56, vm0, $0xb8;
	[tilespmem:$0x1F000] =	vst v63  }
0x30d: {  	v62 =	vperm.xlane v18, v16;
	v61 =	vadd.s32 v4, v60;
	s24 =	simm.s32 $0x1ED80  }
0x30e: {  	[tilespmem:s24], [sflag:$0x1] =	stream.indirect_vreg.gather [hbm4b:s20+s4], $0x80, v58, vm0, $0xb8;
	[tilespmem:$0x1F000] =	vst v63  }
0x30f: {  	v18 =	vperm.xlane v18, v17;
	v63 =	vadd.s32 v4, v62;
	s24 =	simm.s32 $0x1EE00  }
0x310: {  	[tilespmem:s24], [sflag:$0x1] =	stream.indirect_vreg.gather [hbm4b:s20+s4], $0x80, v19, vm0, $0xb8;
	[tilespmem:$0x1F000] =	vst v63  }
0x311: {  	v18 =	vadd.s32 v4, v18;
	s24 =	simm.s32 $0x1EE80  }
0x312: {  	[tilespmem:s24], [sflag:$0x1] =	stream.indirect_vreg.gather [hbm4b:s20+s4], $0x80, v61, vm0, $0xb8;
	[tilespmem:$0x1F000] =	vst v63  }
0x313: {  	s24 =	simm.s32 $0x1EF00  }
0x314: {  	[tilespmem:s24], [sflag:$0x1] =	stream.indirect_vreg.gather [hbm4b:s20+s4], $0x80, v63, vm0, $0xb8;
	[tilespmem:$0x1F000] =	vst v63  }
0x315: {  	s24 =	simm.s32 $0x1EF80  }
0x316: {  	[tilespmem:s24], [sflag:$0x1] =	stream.indirect_vreg.gather [hbm4b:s20+s4], $0x80, v18, vm0, $0xb8;
	[tilespmem:$0x1F000] =	vst v63  }
0x317: {  	_ =	swait.ge [sflag:s7], $0x4000  }
0x318: {  	p1 =	sne.s32 s3, $0x9C00;
	s30 =	sadd.s32 $0x18800, s30;
	[sflag:s7] =	ssyncset.done $0x0  }
.Ltmp2:
0x319: {  	s24 =	simm.s32 $0x80;
	[sflag:s7] =	ssyncadd.s32 $0xFFFFC000;
	(pc) =	sbr.rel @p1 .LBB2_6-.Ltmp2, $4  }
0x31a: {  	[spmem:s31] =	stream.indirect.scatter.add.f32 [tilespmem:s29], [sflag:$0x2], $0x80, s30, s24, $0xb8;
	[tilespmem:$0x1F000] =	vst v63  }
0x31b: {  	_ =	swait.ge [sflag:s25], $0x4000  }
0x31c: {  	[sflag:s25] =	ssyncset.done $0x0  }
0x31d: {  	s3 =	sadd.s32 $0x200, s3;
	[sflag:s25] =	ssyncadd.s32 $0xFFFFC000  }
0x31e: {  	[bflag:$0x0] =	sbarrier.arrive $0xFFFF  }
0x31f: {  	s1 =	rddreg [dreg:$0x14]  }
0x320: {  	s2 =	simm.s32 $0x8;
	s6 =	rddreg [dreg:$0x18]  }
0x321: {  	s3 =	simm.s32 $0x100;
	s5 =	simm.s32 $0x80;
	s9 =	rddreg [dreg:$0x19]  }
0x322: {  	[hbm:s1@s3], [sflag:s6] =	dma.strided [spmem:s9@s5], $0x1900, s2, $0x10   }
0x323: {  	s30 =	simm.s32 @!p0 $0x100;
	s31 =	simm.s32 @!p0 $0x80;
	_ =	swait.ge [sflag:s25], $0x1900  }
0x324: {  	s17 =	simm.s32 $0x1B380;
	s18 =	simm.s32 $0x1B400;
	[sflag:s25] =	ssyncset.done $0x0  }
0x325: {  	s3 =	simm.s32 @!p0 $0x8;
	s1 =	rddreg [dreg:$0x15];
	[sflag:s25] =	ssyncadd.s32 $0xFFFFE700  }
0x326: {  	[hbm:s1@s30], [sflag:s6] =	dma.strided @!p0 [spmem:s8@s31], $0xF00, s3, $0x10   }
0x327: {  	s19 =	simm.s32 $0x1B480;
	s21 =	simm.s32 $0x1B500;
	s3 =	simm.s32 @!p0 $0x2  }
0x328: {  	s22 =	simm.s32 $0x1B580;
	s31 =	rddreg [dreg:$0x3];
	_ =	swait.ge @!p0 [sflag:s3], $0xF00  }
0x329: {  	s23 =	simm.s32 $0x1B600;
	s10 =	simm.s32 $0x1B780;
	s30 =	rddreg [dreg:$0x17]  }
0x32a: {  	s11 =	simm.s32 $0x1B800;
	s26 =	rddreg [dreg:$0x16];
	s30 =	sadd.s32 $0x1, s30  }
0x32b: {  	s12 =	simm.s32 $0x1B880;
	s13 =	simm.s32 $0x1B900;
	p1 =	sne.s32 s30, s26  }
.Ltmp3:
0x32c: {  	s14 =	simm.s32 $0x1B980;
	s15 =	simm.s32 $0x1BA00;
	(pc) =	sbr.rel @p1 .LBB2_1-.Ltmp3, $4  }
0x32d: {  	s16 =	simm.s32 $0x1BA80;
	s28 =	simm.s32 $0x1BB00;
	[sflag:s3] =	ssyncset.done @!p0 $0x0  }
0x32e: {  	s24 =	simm.s32 $0x14000;
	s2 =	simm.s32 $0x1B200;
	[sflag:s3] =	ssyncadd.s32 @!p0 $0xFFFFF100  }
0x32f: {  	s5 =	simm.s32 $0x1B280;
	s9 =	simm.s32 $0x1B700;
	[bflag:$0x0] =	sbarrier.arrive $0xFFFF  }
0x330: {  	s6 =	simm.s32 $0x1B300;
	s8 =	simm.s32 $0x1B680;
	s26 =	simm.s32 $0x1B180  }
0x331: {  	_ =	sfence.sel $0x180000  }
0x332: {  	[bflag:$0x0] =	sbarrier.arrive $0xFFFF  }
0x333: {  	_ =	strace $0x90000047  }
0x334: {  	s0 =	stileid.u32;
	[bflag:$0x2] =	sbarrier.arrive $0xFFFF  }
0x335: {  	p0 =	sne.s32 s0, $0x0;
	s0 =	rddreg [dreg:$0x4]  }
0x336: {  	s0 =	sadd.s32 @!p0 $0x100000, s0  }
0x337: {  	[sflag:s0] =	ssyncadd.tile.s32 @!p0 $0x1;
	_ =	shalt  }
.Lfunc_end2:
_tile_overlayer_lowered:
.L_overlay_start_2:
0x338: {  	(tag) =	ssettag $0x2  }
0x339: {  	s0 =	rddreg [dreg:$0x0];
	s2 =	stileid.u32  }
0x33a: {  	s1 =	rddreg [dreg:$0x1];
	p0 =	sne.s32 s2, $0x0  }
0x33b: {  	s3 =	rddreg [dreg:$0x2];
	[bflag:$0x3] =	sbarrier.arrive $0xFFFF;
	s2 =	simm.s32 @!p0 $0x1C02  }
0x33c: {  	[timem:s3], [sflag:s2] =	dma.local @!p0 [hbm:s0], s1  }
0x33d: {  	s0 =	simm.s32 @!p0 $0x2  }
0x33e: {  	_ =	swait.ge @!p0 [sflag:s0], s1  }
0x33f: {  	s1 =	ssub.s32 @!p0 $0x0, s1;
	[sflag:s0] =	ssyncset.done @!p0 $0x0  }
0x340: {  	[sflag:s0] =	ssyncadd.s32 @!p0 s1  }
0x341: {  	[bflag:$0x3] =	sbarrier.arrive $0xFFFF  }
0x342: {  	_ =	shalt  }

</sc_bundles>
